<compile_context>
chip_gen: v7x
topology: tpu7x:2x2x1
jax: 0.10.2.dev20260603
libtpu: 0.0.44.dev20260713+nightly
codegen_flags: <defaults>
</compile_context>

<pallas_src>
import functools

import jax
import jax.numpy as jnp
from jax import lax
from jax.experimental import pallas as pl
from jax.experimental.pallas import tpu as pltpu
from jax.experimental.pallas import tpu_sc as plsc

N_NODES = 50000
N_EDGES = 800000
HIDDEN = 64
N_SUB = 2048

NPAD = 51200
HALF = 25600
EPAD = 819200
CH = 128

ACC_ROWS = 26624
DUMMY_BASE = HALF
POOL_PAD = 2560

_MESH = plsc.VectorSubcoreMesh(core_axis_name="c", subcore_axis_name="s")


def _zero_1d(ref, n):
    z = jnp.zeros((16,), ref.dtype)

    def body(i, _):
        ref[pl.ds(i * 16, 16)] = z
        return 0

    lax.fori_loop(0, n // 16, body, 0)


def _sc_degree_body(dst_hbm, hist_out, dstbuf, onesbuf, zbuf, hist_sh):
    cid = lax.axis_index("c")
    sid = lax.axis_index("s")
    gwid = cid * 16 + sid

    _zero_1d(zbuf, 3200)
    pltpu.sync_copy(zbuf, hist_sh.at[pl.ds(sid * 3200, 3200)])

    def ones_body(i, _):
        onesbuf[pl.ds(i * 16, 16)] = jnp.ones((16,), jnp.float32)
        return 0

    lax.fori_loop(0, CH // 16, ones_body, 0)
    plsc.subcore_barrier()

    ebase = gwid * (EPAD // 32)

    def chunk(c, _):
        pltpu.sync_copy(dst_hbm.at[pl.ds(ebase + c * CH, CH)], dstbuf)
        pltpu.sync_copy(onesbuf, hist_sh.at[dstbuf], add=True)
        return 0

    lax.fori_loop(0, (EPAD // 32) // CH, chunk, 0)
    plsc.subcore_barrier()
    pltpu.sync_copy(hist_sh.at[pl.ds(sid * 3200, 3200)],
                    hist_out.at[cid, pl.ds(sid * 3200, 3200)])


def _sc_degree(dst_pad):
    return pl.kernel(
        _sc_degree_body,
        out_type=jax.ShapeDtypeStruct((2, NPAD), jnp.float32),
        mesh=_MESH,
        scratch_types=[
            pltpu.VMEM((CH,), jnp.int32),
            pltpu.VMEM((CH,), jnp.float32),
            pltpu.VMEM((3200,), jnp.float32),
            pltpu.VMEM_SHARED((NPAD,), jnp.float32),
        ],
    )(dst_pad)


def _sc_agg_body(src_hbm, dst_hbm, h1_hbm, agg_out,
                 srcbuf, dstbuf, lidxbuf, rowsbuf, acc_sh):
    cid = lax.axis_index("c")
    sid = lax.axis_index("s")

    def zrow(i, _):
        for j in range(HIDDEN // 16):
            rowsbuf[i, pl.ds(j * 16, 16)] = jnp.zeros((16,), jnp.float32)
        return 0

    lax.fori_loop(0, CH, zrow, 0)

    def zacc(k, _):
        pltpu.sync_copy(rowsbuf, acc_sh.at[pl.ds(sid * 1664 + k * CH, CH)])
        return 0

    lax.fori_loop(0, 1664 // CH, zacc, 0)
    plsc.subcore_barrier()

    nbase = cid * HALF
    ebase = sid * (EPAD // 16)

    def chunk(c, _):
        off = ebase + c * CH
        pltpu.sync_copy(src_hbm.at[pl.ds(off, CH)], srcbuf)
        pltpu.sync_copy(dst_hbm.at[pl.ds(off, CH)], dstbuf)
        pltpu.sync_copy(h1_hbm.at[srcbuf], rowsbuf)

        def lidx(j, _):
            d = dstbuf[pl.ds(j * 16, 16)]
            s = srcbuf[pl.ds(j * 16, 16)]
            ld = d - nbase
            ok = (ld >= 0) & (ld < HALF)
            dummy = DUMMY_BASE + (s & 511)
            lidxbuf[pl.ds(j * 16, 16)] = jnp.where(ok, ld, dummy)
            return 0

        lax.fori_loop(0, CH // 16, lidx, 0)
        pltpu.sync_copy(rowsbuf, acc_sh.at[lidxbuf], add=True)
        return 0

    lax.fori_loop(0, (EPAD // 16) // CH, chunk, 0)
    plsc.subcore_barrier()
    pltpu.sync_copy(acc_sh.at[pl.ds(sid * 1600, 1600)],
                    agg_out.at[cid, pl.ds(sid * 1600, 1600)])


def _sc_agg(src_pad, dst_pad, h1):
    return pl.kernel(
        _sc_agg_body,
        out_type=jax.ShapeDtypeStruct((2, HALF, HIDDEN), jnp.float32),
        mesh=_MESH,
        compiler_params=pltpu.CompilerParams(use_tc_tiling_on_sc=False),
        scratch_types=[
            pltpu.VMEM((CH,), jnp.int32),
            pltpu.VMEM((CH,), jnp.int32),
            pltpu.VMEM((CH,), jnp.int32),
            pltpu.VMEM((CH, HIDDEN), jnp.float32),
            pltpu.VMEM_SHARED((ACC_ROWS, HIDDEN), jnp.float32),
        ],
    )(src_pad, dst_pad, h1)


def _sc_pool_body(g_hbm, n2s_hbm, pool_out, gbuf, idxbuf, zbuf, pool_sh):
    cid = lax.axis_index("c")
    sid = lax.axis_index("s")

    _zero_1d(zbuf, 160)
    pltpu.sync_copy(zbuf, pool_sh.at[pl.ds(sid * 160, 160)])
    plsc.subcore_barrier()

    nbase = cid * HALF + sid * 1600

    def chunk(c, _):
        off = nbase + c * 80
        pltpu.sync_copy(g_hbm.at[pl.ds(off, 80)], gbuf)
        pltpu.sync_copy(n2s_hbm.at[pl.ds(off, 80)], idxbuf)
        pltpu.sync_copy(gbuf, pool_sh.at[idxbuf], add=True)
        return 0

    lax.fori_loop(0, 1600 // 80, chunk, 0)
    plsc.subcore_barrier()
    pltpu.sync_copy(pool_sh.at[pl.ds(sid * 128, 128)],
                    pool_out.at[cid, pl.ds(sid * 128, 128)])


def _sc_pool(g, n2s_pad):
    return pl.kernel(
        _sc_pool_body,
        out_type=jax.ShapeDtypeStruct((2, N_SUB), jnp.float32),
        mesh=_MESH,
        scratch_types=[
            pltpu.VMEM((80,), jnp.float32),
            pltpu.VMEM((80,), jnp.int32),
            pltpu.VMEM((160,), jnp.float32),
            pltpu.VMEM_SHARED((POOL_PAD,), jnp.float32),
        ],
    )(g, n2s_pad)


_INV_SQRT2 = 0.7071067811865476


def _gelu(x):
    return 0.5 * x * (1.0 + lax.erf(x * _INV_SQRT2))


def _dot(a, b):
    return jnp.dot(a, b, preferred_element_type=jnp.float32,
                   precision=lax.Precision.HIGHEST)


_ROWS = 512


def _tc_h1_body(dp_ref, w1_ref, b1_ref, w2_ref, b2_ref, out_ref):
    d = dp_ref[0, :] + dp_ref[1, :] + 1.0
    z = d[:, None] * w1_ref[0, :][None, :] + b1_ref[0, :][None, :]
    h = _gelu(z)
    out_ref[...] = _gelu(_dot(h, w2_ref[...]) + b2_ref[0, :][None, :])


def _tc_h1(deg_partials, W1, b1, W2, b2):
    return pl.pallas_call(
        _tc_h1_body,
        grid=(NPAD // _ROWS,),
        in_specs=[
            pl.BlockSpec((2, _ROWS), lambda i: (0, i)),
            pl.BlockSpec((1, HIDDEN), lambda i: (0, 0)),
            pl.BlockSpec((1, HIDDEN), lambda i: (0, 0)),
            pl.BlockSpec((HIDDEN, HIDDEN), lambda i: (0, 0)),
            pl.BlockSpec((1, HIDDEN), lambda i: (0, 0)),
        ],
        out_specs=pl.BlockSpec((_ROWS, HIDDEN), lambda i: (i, 0)),
        out_shape=jax.ShapeDtypeStruct((NPAD, HIDDEN), jnp.float32),
    )(deg_partials, W1, b1, W2, b2)


def _tc_g_body(h1_ref, agg_ref, w3_ref, b3_ref, w4_ref, b4_ref,
               wf0_ref, bf0_ref, wf1_ref, out_ref):
    h = h1_ref[...] + agg_ref[...]
    h = _gelu(_dot(h, w3_ref[...]) + b3_ref[0, :][None, :])
    h = _gelu(_dot(h, w4_ref[...]) + b4_ref[0, :][None, :])
    t = _gelu(_dot(h, wf0_ref[...]) + bf0_ref[0, :][None, :])
    out_ref[...] = _dot(t, wf1_ref[...])


def _tc_g(h1, agg, W3, b3, W4, b4, Wf0, bf0, Wf1):
    full = lambda i: (0, 0)
    return pl.pallas_call(
        _tc_g_body,
        grid=(NPAD // _ROWS,),
        in_specs=[
            pl.BlockSpec((_ROWS, HIDDEN), lambda i: (i, 0)),
            pl.BlockSpec((_ROWS, HIDDEN), lambda i: (i, 0)),
            pl.BlockSpec((HIDDEN, HIDDEN), full),
            pl.BlockSpec((1, HIDDEN), full),
            pl.BlockSpec((HIDDEN, HIDDEN), full),
            pl.BlockSpec((1, HIDDEN), full),
            pl.BlockSpec((HIDDEN, HIDDEN), full),
            pl.BlockSpec((1, HIDDEN), full),
            pl.BlockSpec((HIDDEN, 1), full),
        ],
        out_specs=pl.BlockSpec((_ROWS, 1), lambda i: (i, 0)),
        out_shape=jax.ShapeDtypeStruct((NPAD, 1), jnp.float32),
    )(h1, agg, W3, b3, W4, b4, Wf0, bf0, Wf1)


def _tc_final_body(pp_ref, bf1_ref, out_ref):
    out_ref[...] = pp_ref[0:1, :] + pp_ref[1:2, :] + bf1_ref[0, 0]


def _tc_final(pool_partials, bf1):
    return pl.pallas_call(
        _tc_final_body,
        in_specs=[
            pl.BlockSpec((2, N_SUB), lambda: (0, 0)),
            pl.BlockSpec((1, 1), lambda: (0, 0)),
        ],
        out_specs=pl.BlockSpec((1, N_SUB), lambda: (0, 0)),
        out_shape=jax.ShapeDtypeStruct((1, N_SUB), jnp.float32),
    )(pool_partials, bf1.reshape(1, 1))


def kernel(edge_index, node2sub, max_nodes, W1, b1, W2, b2, W3, b3, W4, b4,
           Wf0, bf0, Wf1, bf1):
    src = edge_index[0].astype(jnp.int32)
    dst = edge_index[1].astype(jnp.int32)
    npad_e = EPAD - N_EDGES
    padi = jnp.arange(npad_e, dtype=jnp.int32)
    src_p = jnp.concatenate([src, padi % N_NODES])
    dst_p = jnp.concatenate([dst, N_NODES + (padi % 1024)])
    n2s_p = jnp.concatenate([
        node2sub.astype(jnp.int32),
        N_SUB + (jnp.arange(NPAD - N_NODES, dtype=jnp.int32) % 512),
    ])

    deg_partials = _sc_degree(dst_p)
    h1 = _tc_h1(deg_partials, W1, b1.reshape(1, HIDDEN), W2,
                b2.reshape(1, HIDDEN))
    agg = _sc_agg(src_p, dst_p, h1).reshape(NPAD, HIDDEN)
    g = _tc_g(h1, agg, W3, b3.reshape(1, HIDDEN), W4, b4.reshape(1, HIDDEN),
              Wf0, bf0.reshape(1, HIDDEN), Wf1).reshape(NPAD)
    pool_partials = _sc_pool(g, n2s_p)
    res = _tc_final(pool_partials, bf1)
    return res.reshape(N_SUB // 256, 256)

# --- scband reference (transcript-rebuilt; emitter-appended) ---
"""Pipeline reference for scband-local-gnn-46222438039625 (READ-ONLY COPY).

The authoritative reference and input builder live on the scoring server;
editing this copy changes nothing except your own understanding.
"""

import jax, jax.numpy as jnp
import numpy as np

N_NODES = 50000
N_EDGES = 800000
HIDDEN = 64
N_SUBGRAPHS = 2048
MAX_NODES = 256


def setup_inputs(seed: int = 0) -> dict:
    key = jax.random.key(seed)
    ks = jax.random.split(key, 16)
    edge_index = jax.random.randint(ks[0], (2, N_EDGES), 0, N_NODES, dtype=jnp.int64) if jax.config.jax_enable_x64 else jax.random.randint(ks[0], (2, N_EDGES), 0, N_NODES).astype(jnp.int32)
    node2sub = jnp.sort(jax.random.randint(ks[1], (N_NODES,), 0, N_SUBGRAPHS))
    s = 1.0 / np.sqrt(HIDDEN)
    inp = {
        'edge_index': edge_index,
        'node2sub': node2sub,
        'max_nodes': MAX_NODES,
        # conv1 MLP: Linear(1, hidden), GELU, Linear(hidden, hidden), GELU
        'W1': jax.random.normal(ks[2], (1, HIDDEN), dtype=jnp.float32),
        'b1': jnp.zeros((HIDDEN,), dtype=jnp.float32),
        'W2': jax.random.normal(ks[3], (HIDDEN, HIDDEN), dtype=jnp.float32) * s,
        'b2': jnp.zeros((HIDDEN,), dtype=jnp.float32),
        # conv2 MLP: Linear(hidden, hidden), GELU, Linear(hidden, hidden), GELU
        'W3': jax.random.normal(ks[4], (HIDDEN, HIDDEN), dtype=jnp.float32) * s,
        'b3': jnp.zeros((HIDDEN,), dtype=jnp.float32),
        'W4': jax.random.normal(ks[5], (HIDDEN, HIDDEN), dtype=jnp.float32) * s,
        'b4': jnp.zeros((HIDDEN,), dtype=jnp.float32),
        # fc0: Linear(hidden, hidden)
        'Wf0': jax.random.normal(ks[6], (HIDDEN, HIDDEN), dtype=jnp.float32) * s,
        'bf0': jnp.zeros((HIDDEN,), dtype=jnp.float32),
        # fc1: Linear(hidden, 1)
        'Wf1': jax.random.normal(ks[7], (HIDDEN, 1), dtype=jnp.float32) * s,
        'bf1': jnp.zeros((1,), dtype=jnp.float32),
    }
    return inp


def _gin_layer(x, src, dst, Wa, ba, Wb, bb):
    # GINConv, train_eps=False (eps=0): mlp(x + sum_{j in N(i)} x_j)
    agg = jnp.zeros_like(x).at[dst].add(x[src])
    h = x + agg
    h = jax.nn.gelu(h @ Wa + ba, approximate=False)
    h = jax.nn.gelu(h @ Wb + bb, approximate=False)
    return h


def reference(edge_index, node2sub, max_nodes, W1, b1, W2, b2, W3, b3, W4, b4, Wf0, bf0, Wf1, bf1):
    n_nodes = node2sub.shape[0]
    src = edge_index[0]
    dst = edge_index[1]
    # subgraph.x = ones([num_nodes, 1])
    x0 = jnp.ones((n_nodes, 1), dtype=jnp.float32)
    h = _gin_layer(x0, src, dst, W1, b1, W2, b2)
    h = _gin_layer(h, src, dst, W3, b3, W4, b4)
    h = jax.nn.gelu(h @ Wf0 + bf0, approximate=False)
    # global_add_pool per subgraph (batched over all subgraphs)
    pooled = jax.ops.segment_sum(h, node2sub, num_segments=N_SUBGRAPHS)
    # int_emb: [num_graphs, max_nodes, hidden]
    B = N_SUBGRAPHS // MAX_NODES
    int_emb = pooled.reshape(B, MAX_NODES, -1) * (max_nodes // max_nodes)
    res = int_emb @ Wf1 + bf1
    res = jnp.squeeze(res, axis=-1)
    return res

if __name__ == "__main__":
    import jax
    _d = setup_inputs()
    print(jax.jit(kernel)(*tuple(_d.values())))

</pallas_src>

<mosaic_0001>
#map = affine_map<(d0, d1) -> (0)>
#map1 = affine_map<(d0, d1) -> (0, 0)>
module attributes {stable_mosaic.version = 14 : i64} {
  func.func @_sc_pool_body(%arg0: i32, %arg1: i32, %arg2: memref<51200xf32, #tpu.memory_space<hbm>>, %arg3: memref<51200xi32, #tpu.memory_space<hbm>>, %arg4: memref<2x2048xf32, #tpu.memory_space<hbm>>, %arg5: memref<80xf32, #tpu.memory_space<vmem>>, %arg6: memref<80xi32, #tpu.memory_space<vmem>>, %arg7: memref<160xf32, #tpu.memory_space<vmem>>, %arg8: memref<2560xf32, #tpu.memory_space<vmem_shared>>) attributes {dimension_semantics = [#tpu.dimension_semantics<core_parallel>, #tpu.dimension_semantics<subcore_parallel>], iteration_bounds = array<i64: 2, 16>, scalar_prefetch = 0 : i64, scratch_operands = 4 : i64, tpu.core_type = #tpu.core_type<sc_vector_subcore>, window_params = [{transform_indices = #map}, {transform_indices = #map}, {transform_indices = #map1}]} {
    %broadcast_in_dim3A = arith.constant 0.000000e+00 : f32
    %broadcast_in_dim3A_0 = vector.broadcast %broadcast_in_dim3A : f32 to vector<16xf32>
    %scan3A = arith.constant 0 : i32
    %scan3A_1 = arith.constant 0 : i32
    %scan3A_2 = arith.constant 10 : i32
    %scan3A_3 = arith.addi %scan3A_1, %scan3A_2 : i32
    %scan3A_4 = arith.constant 1 : i32
    %scan3A_5 = scf.for %scan3A_24 = %scan3A_1 to %scan3A_3 step %scan3A_4 iter_args(%scan3A_25 = %scan3A) -> (i32)  : i32 {
      %mul3A_26 = arith.constant 16 : i32
      %mul3A_27 = arith.muli %scan3A_24, %mul3A_26 : i32
      %swap3A = arith.index_cast %mul3A_27 : i32 to index
      %swap3A_28 = tpu.vector_load %arg7[%swap3A] {strides = array<i32>} : memref<160xf32, #tpu.memory_space<vmem>>, vector<16xf32>,
      %swap3A_29 = vector.shape_cast %swap3A_28 : vector<16xf32> to vector<16xf32>
      %swap3A_30 = vector.shape_cast %broadcast_in_dim3A_0 : vector<16xf32> to vector<16xf32>
      tpu.vector_store %arg7[%swap3A], %swap3A_30 {strides = array<i32>} : memref<160xf32, #tpu.memory_space<vmem>>, vector<16xf32>,
      %scan3A_31 = arith.constant 0 : i32
      scf.yield %scan3A_31 : i32
    }
    %scan3A_6 = arith.constant 10 : i32
    %mul3A = arith.constant 160 : i32
    %mul3A_7 = arith.muli %arg1, %mul3A : i32
    "tpu.region"() ({
      %run_scoped3A = tpu.sem_alloc : memref<!tpu.dma_semaphore, #tpu.memory_space<semaphore_mem>>
      %dma_start3A = tpu.memref_slice %arg8[%mul3A_7] : memref<2560xf32, #tpu.memory_space<vmem_shared>> -> memref<160xf32, #tpu.memory_space<vmem_shared>>
      %dma_start3A_24 = tpu.memref_slice %arg8[%mul3A_7] : memref<2560xf32, #tpu.memory_space<vmem_shared>> -> memref<160xf32, #tpu.memory_space<vmem_shared>>
      tpu.enqueue_dma source(%arg7 : memref<160xf32, #tpu.memory_space<vmem>>) target(%dma_start3A_24 : memref<160xf32, #tpu.memory_space<vmem_shared>>) target_semaphore(%run_scoped3A : memref<!tpu.dma_semaphore, #tpu.memory_space<semaphore_mem>>)
      %dma_wait3A = tpu.memref_slice %arg8[%mul3A_7] : memref<2560xf32, #tpu.memory_space<vmem_shared>> -> memref<160xf32, #tpu.memory_space<vmem_shared>>
      %dma_wait3A_25 = tpu.memref_slice %arg8[%mul3A_7] : memref<2560xf32, #tpu.memory_space<vmem_shared>> -> memref<160xf32, #tpu.memory_space<vmem_shared>>
      tpu.wait_dma2 semaphore(%run_scoped3A : memref<!tpu.dma_semaphore, #tpu.memory_space<semaphore_mem>>) src(%arg7 : memref<160xf32, #tpu.memory_space<vmem>>) dst(%dma_wait3A_25 : memref<160xf32, #tpu.memory_space<vmem_shared>>)
      tpu.yield
    }) : () -> ()
    %barrier3A = arith.constant 0 : index
    tpu.barrier barrier_id(%barrier3A)
    %mul3A_8 = arith.constant 25600 : i32
    %mul3A_9 = arith.muli %arg0, %mul3A_8 : i32
    %mul3A_10 = arith.constant 1600 : i32
    %mul3A_11 = arith.muli %arg1, %mul3A_10 : i32
    %add3A = arith.addi %mul3A_9, %mul3A_11 : i32
    %scan3A_12 = arith.constant 0 : i32
    %scan3A_13 = arith.constant 0 : i32
    %scan3A_14 = arith.constant 20 : i32
    %scan3A_15 = arith.addi %scan3A_13, %scan3A_14 : i32
    %scan3A_16 = arith.constant 1 : i32
    %scan3A_17 = scf.for %scan3A_24 = %scan3A_13 to %scan3A_15 step %scan3A_16 iter_args(%scan3A_25 = %scan3A_12) -> (i32)  : i32 {
      %mul3A_26 = arith.constant 80 : i32
      %mul3A_27 = arith.muli %scan3A_24, %mul3A_26 : i32
      %add3A_28 = arith.addi %add3A, %mul3A_27 : i32
      "tpu.region"() ({
        %run_scoped3A = tpu.sem_alloc : memref<!tpu.dma_semaphore, #tpu.memory_space<semaphore_mem>>
        %dma_start3A = tpu.memref_slice %arg2[%add3A_28] : memref<51200xf32, #tpu.memory_space<hbm>> -> memref<80xf32, #tpu.memory_space<hbm>>
        %dma_start3A_30 = tpu.memref_slice %arg2[%add3A_28] : memref<51200xf32, #tpu.memory_space<hbm>> -> memref<80xf32, #tpu.memory_space<hbm>>
        tpu.enqueue_dma source(%dma_start3A_30 : memref<80xf32, #tpu.memory_space<hbm>>) target(%arg5 : memref<80xf32, #tpu.memory_space<vmem>>) target_semaphore(%run_scoped3A : memref<!tpu.dma_semaphore, #tpu.memory_space<semaphore_mem>>)
        %dma_wait3A = tpu.memref_slice %arg2[%add3A_28] : memref<51200xf32, #tpu.memory_space<hbm>> -> memref<80xf32, #tpu.memory_space<hbm>>
        %dma_wait3A_31 = tpu.memref_slice %arg2[%add3A_28] : memref<51200xf32, #tpu.memory_space<hbm>> -> memref<80xf32, #tpu.memory_space<hbm>>
        tpu.wait_dma2 semaphore(%run_scoped3A : memref<!tpu.dma_semaphore, #tpu.memory_space<semaphore_mem>>) src(%dma_wait3A_31 : memref<80xf32, #tpu.memory_space<hbm>>) dst(%arg5 : memref<80xf32, #tpu.memory_space<vmem>>)
        tpu.yield
      }) : () -> ()
      "tpu.region"() ({
        %run_scoped3A = tpu.sem_alloc : memref<!tpu.dma_semaphore, #tpu.memory_space<semaphore_mem>>
        %dma_start3A = tpu.memref_slice %arg3[%add3A_28] : memref<51200xi32, #tpu.memory_space<hbm>> -> memref<80xi32, #tpu.memory_space<hbm>>
        %dma_start3A_30 = tpu.memref_slice %arg3[%add3A_28] : memref<51200xi32, #tpu.memory_space<hbm>> -> memref<80xi32, #tpu.memory_space<hbm>>
        tpu.enqueue_dma source(%dma_start3A_30 : memref<80xi32, #tpu.memory_space<hbm>>) target(%arg6 : memref<80xi32, #tpu.memory_space<vmem>>) target_semaphore(%run_scoped3A : memref<!tpu.dma_semaphore, #tpu.memory_space<semaphore_mem>>)
        %dma_wait3A = tpu.memref_slice %arg3[%add3A_28] : memref<51200xi32, #tpu.memory_space<hbm>> -> memref<80xi32, #tpu.memory_space<hbm>>
        %dma_wait3A_31 = tpu.memref_slice %arg3[%add3A_28] : memref<51200xi32, #tpu.memory_space<hbm>> -> memref<80xi32, #tpu.memory_space<hbm>>
        tpu.wait_dma2 semaphore(%run_scoped3A : memref<!tpu.dma_semaphore, #tpu.memory_space<semaphore_mem>>) src(%dma_wait3A_31 : memref<80xi32, #tpu.memory_space<hbm>>) dst(%arg6 : memref<80xi32, #tpu.memory_space<vmem>>)
        tpu.yield
      }) : () -> ()
      "tpu.region"() ({
        %run_scoped3A = tpu.sem_alloc : memref<!tpu.dma_semaphore, #tpu.memory_space<semaphore_mem>>
        %dma_start3A = arith.constant 0 : i32
        %dma_start3A_30 = tpu.memref_slice %arg8[%dma_start3A] : memref<2560xf32, #tpu.memory_space<vmem_shared>> -> memref<2560xf32, #tpu.memory_space<vmem_shared>>
        tpu.enqueue_indirect_dma source(%arg5 : memref<80xf32, #tpu.memory_space<vmem>>) target(%dma_start3A_30 : memref<2560xf32, #tpu.memory_space<vmem_shared>>) offsets(%arg6 : memref<80xi32, #tpu.memory_space<vmem>>) semaphore(%run_scoped3A : memref<!tpu.dma_semaphore, #tpu.memory_space<semaphore_mem>>) {add = true}
        %dma_wait3A = arith.constant 0 : i32
        %dma_wait3A_31 = tpu.memref_slice %arg8[%dma_wait3A] : memref<2560xf32, #tpu.memory_space<vmem_shared>> -> memref<2560xf32, #tpu.memory_space<vmem_shared>>
        tpu.wait_indirect_dma semaphore(%run_scoped3A : memref<!tpu.dma_semaphore, #tpu.memory_space<semaphore_mem>>) src(%arg5 : memref<80xf32, #tpu.memory_space<vmem>>) dst(%dma_wait3A_31 : memref<2560xf32, #tpu.memory_space<vmem_shared>>)
        tpu.yield
      }) : () -> ()
      %scan3A_29 = arith.constant 0 : i32
      scf.yield %scan3A_29 : i32
    }
    %scan3A_18 = arith.constant 20 : i32
    %barrier3A_19 = arith.constant 0 : index
    tpu.barrier barrier_id(%barrier3A_19)
    %mul3A_20 = arith.constant 128 : i32
    %mul3A_21 = arith.muli %arg1, %mul3A_20 : i32
    %mul3A_22 = arith.constant 128 : i32
    %mul3A_23 = arith.muli %arg1, %mul3A_22 : i32
    "tpu.region"() ({
      %run_scoped3A = tpu.sem_alloc : memref<!tpu.dma_semaphore, #tpu.memory_space<semaphore_mem>>
      %dma_start3A = tpu.memref_slice %arg4[%arg0, %mul3A_23] : memref<2x2048xf32, #tpu.memory_space<hbm>> -> memref<1x128xf32, #tpu.memory_space<hbm>>
      %dma_start3A_24 = tpu.memref_squeeze %dma_start3A : memref<1x128xf32, #tpu.memory_space<hbm>> -> memref<128xf32, #tpu.memory_space<hbm>>
      %dma_start3A_25 = tpu.memref_slice %arg8[%mul3A_21] : memref<2560xf32, #tpu.memory_space<vmem_shared>> -> memref<128xf32, #tpu.memory_space<vmem_shared>>
      tpu.enqueue_dma source(%dma_start3A_25 : memref<128xf32, #tpu.memory_space<vmem_shared>>) target(%dma_start3A_24 : memref<128xf32, #tpu.memory_space<hbm>>) target_semaphore(%run_scoped3A : memref<!tpu.dma_semaphore, #tpu.memory_space<semaphore_mem>>)
      %dma_wait3A = tpu.memref_slice %arg4[%arg0, %mul3A_23] : memref<2x2048xf32, #tpu.memory_space<hbm>> -> memref<1x128xf32, #tpu.memory_space<hbm>>
      %dma_wait3A_26 = tpu.memref_squeeze %dma_wait3A : memref<1x128xf32, #tpu.memory_space<hbm>> -> memref<128xf32, #tpu.memory_space<hbm>>
      %dma_wait3A_27 = tpu.memref_slice %arg8[%mul3A_21] : memref<2560xf32, #tpu.memory_space<vmem_shared>> -> memref<128xf32, #tpu.memory_space<vmem_shared>>
      tpu.wait_dma2 semaphore(%run_scoped3A : memref<!tpu.dma_semaphore, #tpu.memory_space<semaphore_mem>>) src(%dma_wait3A_27 : memref<128xf32, #tpu.memory_space<vmem_shared>>) dst(%dma_wait3A_26 : memref<128xf32, #tpu.memory_space<hbm>>)
      tpu.yield
    }) : () -> ()
    return
  }
}

#map = affine_map<(d0, d1) -> (0)>
#map1 = affine_map<(d0, d1) -> (0, 0)>
#map2 = affine_map<(d0, d1) -> (0, 0, 0)>
module attributes {stable_mosaic.version = 14 : i64} {
  func.func @_sc_agg_body(%arg0: i32, %arg1: i32, %arg2: memref<819200xi32, #tpu.memory_space<hbm>>, %arg3: memref<819200xi32, #tpu.memory_space<hbm>>, %arg4: memref<51200x64xf32, #tpu.memory_space<hbm>>, %arg5: memref<2x25600x64xf32, #tpu.memory_space<hbm>>, %arg6: memref<128xi32, #tpu.memory_space<vmem>>, %arg7: memref<128xi32, #tpu.memory_space<vmem>>, %arg8: memref<128xi32, #tpu.memory_space<vmem>>, %arg9: memref<128x64xf32, #tpu.memory_space<vmem>>, %arg10: memref<26624x64xf32, #tpu.memory_space<vmem_shared>>) attributes {dimension_semantics = [#tpu.dimension_semantics<core_parallel>, #tpu.dimension_semantics<subcore_parallel>], iteration_bounds = array<i64: 2, 16>, scalar_prefetch = 0 : i64, scratch_operands = 5 : i64, tpu.core_type = #tpu.core_type<sc_vector_subcore>, window_params = [{transform_indices = #map}, {transform_indices = #map}, {transform_indices = #map1}, {transform_indices = #map2}]} {
    %scan3A = arith.constant 0 : i32
    %scan3A_0 = arith.constant 0 : i32
    %scan3A_1 = arith.constant 128 : i32
    %scan3A_2 = arith.addi %scan3A_0, %scan3A_1 : i32
    %scan3A_3 = arith.constant 1 : i32
    %scan3A_4 = scf.for %scan3A_28 = %scan3A_0 to %scan3A_2 step %scan3A_3 iter_args(%scan3A_29 = %scan3A) -> (i32)  : i32 {
      %broadcast_in_dim3A = arith.constant 0.000000e+00 : f32
      %broadcast_in_dim3A_30 = vector.broadcast %broadcast_in_dim3A : f32 to vector<16xf32>
      %swap3A = arith.index_cast %scan3A_28 : i32 to index
      %swap3A_31 = arith.constant 0 : index
      %swap3A_32 = tpu.vector_load %arg9[%swap3A, %swap3A_31] {strides = array<i32>} : memref<128x64xf32, #tpu.memory_space<vmem>>, vector<1x16xf32>,
      %swap3A_33 = vector.shape_cast %swap3A_32 : vector<1x16xf32> to vector<16xf32>
      %swap3A_34 = vector.shape_cast %broadcast_in_dim3A_30 : vector<16xf32> to vector<1x16xf32>
      tpu.vector_store %arg9[%swap3A, %swap3A_31], %swap3A_34 {strides = array<i32>} : memref<128x64xf32, #tpu.memory_space<vmem>>, vector<1x16xf32>,
      %broadcast_in_dim3A_35 = arith.constant 0.000000e+00 : f32
      %broadcast_in_dim3A_36 = vector.broadcast %broadcast_in_dim3A_35 : f32 to vector<16xf32>
      %swap3A_37 = arith.index_cast %scan3A_28 : i32 to index
      %swap3A_38 = arith.constant 16 : index
      %swap3A_39 = tpu.vector_load %arg9[%swap3A_37, %swap3A_38] {strides = array<i32>} : memref<128x64xf32, #tpu.memory_space<vmem>>, vector<1x16xf32>,
      %swap3A_40 = vector.shape_cast %swap3A_39 : vector<1x16xf32> to vector<16xf32>
      %swap3A_41 = vector.shape_cast %broadcast_in_dim3A_36 : vector<16xf32> to vector<1x16xf32>
      tpu.vector_store %arg9[%swap3A_37, %swap3A_38], %swap3A_41 {strides = array<i32>} : memref<128x64xf32, #tpu.memory_space<vmem>>, vector<1x16xf32>,
      %broadcast_in_dim3A_42 = arith.constant 0.000000e+00 : f32
      %broadcast_in_dim3A_43 = vector.broadcast %broadcast_in_dim3A_42 : f32 to vector<16xf32>
      %swap3A_44 = arith.index_cast %scan3A_28 : i32 to index
      %swap3A_45 = arith.constant 32 : index
      %swap3A_46 = tpu.vector_load %arg9[%swap3A_44, %swap3A_45] {strides = array<i32>} : memref<128x64xf32, #tpu.memory_space<vmem>>, vector<1x16xf32>,
      %swap3A_47 = vector.shape_cast %swap3A_46 : vector<1x16xf32> to vector<16xf32>
      %swap3A_48 = vector.shape_cast %broadcast_in_dim3A_43 : vector<16xf32> to vector<1x16xf32>
      tpu.vector_store %arg9[%swap3A_44, %swap3A_45], %swap3A_48 {strides = array<i32>} : memref<128x64xf32, #tpu.memory_space<vmem>>, vector<1x16xf32>,
      %broadcast_in_dim3A_49 = arith.constant 0.000000e+00 : f32
      %broadcast_in_dim3A_50 = vector.broadcast %broadcast_in_dim3A_49 : f32 to vector<16xf32>
      %swap3A_51 = arith.index_cast %scan3A_28 : i32 to index
      %swap3A_52 = arith.constant 48 : index
      %swap3A_53 = tpu.vector_load %arg9[%swap3A_51, %swap3A_52] {strides = array<i32>} : memref<128x64xf32, #tpu.memory_space<vmem>>, vector<1x16xf32>,
      %swap3A_54 = vector.shape_cast %swap3A_53 : vector<1x16xf32> to vector<16xf32>
      %swap3A_55 = vector.shape_cast %broadcast_in_dim3A_50 : vector<16xf32> to vector<1x16xf32>
      tpu.vector_store %arg9[%swap3A_51, %swap3A_52], %swap3A_55 {strides = array<i32>} : memref<128x64xf32, #tpu.memory_space<vmem>>, vector<1x16xf32>,
      %scan3A_56 = arith.constant 0 : i32
      scf.yield %scan3A_56 : i32
    }
    %scan3A_5 = arith.constant 128 : i32
    %scan3A_6 = arith.constant 0 : i32
    %scan3A_7 = arith.constant 0 : i32
    %scan3A_8 = arith.constant 13 : i32
    %scan3A_9 = arith.addi %scan3A_7, %scan3A_8 : i32
    %scan3A_10 = arith.constant 1 : i32
    %scan3A_11 = scf.for %scan3A_28 = %scan3A_7 to %scan3A_9 step %scan3A_10 iter_args(%scan3A_29 = %scan3A_6) -> (i32)  : i32 {
      %mul3A_30 = arith.constant 1664 : i32
      %mul3A_31 = arith.muli %arg1, %mul3A_30 : i32
      %mul3A_32 = arith.constant 128 : i32
      %mul3A_33 = arith.muli %scan3A_28, %mul3A_32 : i32
      %add3A = arith.addi %mul3A_31, %mul3A_33 : i32
      "tpu.region"() ({
        %run_scoped3A = tpu.sem_alloc : memref<!tpu.dma_semaphore, #tpu.memory_space<semaphore_mem>>
        %dma_start3A = arith.constant 0 : i32
        %dma_start3A_35 = tpu.memref_slice %arg10[%add3A, %dma_start3A] : memref<26624x64xf32, #tpu.memory_space<vmem_shared>> -> memref<128x64xf32, #tpu.memory_space<vmem_shared>>
        %dma_start3A_36 = arith.constant 0 : i32
        %dma_start3A_37 = tpu.memref_slice %arg10[%add3A, %dma_start3A_36] : memref<26624x64xf32, #tpu.memory_space<vmem_shared>> -> memref<128x64xf32, #tpu.memory_space<vmem_shared>>
        tpu.enqueue_dma source(%arg9 : memref<128x64xf32, #tpu.memory_space<vmem>>) target(%dma_start3A_37 : memref<128x64xf32, #tpu.memory_space<vmem_shared>>) target_semaphore(%run_scoped3A : memref<!tpu.dma_semaphore, #tpu.memory_space<semaphore_mem>>)
        %dma_wait3A = arith.constant 0 : i32
        %dma_wait3A_38 = tpu.memref_slice %arg10[%add3A, %dma_wait3A] : memref<26624x64xf32, #tpu.memory_space<vmem_shared>> -> memref<128x64xf32, #tpu.memory_space<vmem_shared>>
        %dma_wait3A_39 = arith.constant 0 : i32
        %dma_wait3A_40 = tpu.memref_slice %arg10[%add3A, %dma_wait3A_39] : memref<26624x64xf32, #tpu.memory_space<vmem_shared>> -> memref<128x64xf32, #tpu.memory_space<vmem_shared>>
        tpu.wait_dma2 semaphore(%run_scoped3A : memref<!tpu.dma_semaphore, #tpu.memory_space<semaphore_mem>>) src(%arg9 : memref<128x64xf32, #tpu.memory_space<vmem>>) dst(%dma_wait3A_40 : memref<128x64xf32, #tpu.memory_space<vmem_shared>>)
        tpu.yield
      }) : () -> ()
      %scan3A_34 = arith.constant 0 : i32
      scf.yield %scan3A_34 : i32
    }
    %scan3A_12 = arith.constant 13 : i32
    %barrier3A = arith.constant 0 : index
    tpu.barrier barrier_id(%barrier3A)
    %mul3A = arith.constant 25600 : i32
    %mul3A_13 = arith.muli %arg0, %mul3A : i32
    %mul3A_14 = arith.constant 51200 : i32
    %mul3A_15 = arith.muli %arg1, %mul3A_14 : i32
    %scan3A_16 = arith.constant 0 : i32
    %scan3A_17 = arith.constant 0 : i32
    %scan3A_18 = arith.constant 400 : i32
    %scan3A_19 = arith.addi %scan3A_17, %scan3A_18 : i32
    %scan3A_20 = arith.constant 1 : i32
    %scan3A_21 = scf.for %scan3A_28 = %scan3A_17 to %scan3A_19 step %scan3A_20 iter_args(%scan3A_29 = %scan3A_16) -> (i32)  : i32 {
      %mul3A_30 = arith.constant 128 : i32
      %mul3A_31 = arith.muli %scan3A_28, %mul3A_30 : i32
      %add3A = arith.addi %mul3A_15, %mul3A_31 : i32
      "tpu.region"() ({
        %run_scoped3A = tpu.sem_alloc : memref<!tpu.dma_semaphore, #tpu.memory_space<semaphore_mem>>
        %dma_start3A = tpu.memref_slice %arg2[%add3A] : memref<819200xi32, #tpu.memory_space<hbm>> -> memref<128xi32, #tpu.memory_space<hbm>>
        %dma_start3A_40 = tpu.memref_slice %arg2[%add3A] : memref<819200xi32, #tpu.memory_space<hbm>> -> memref<128xi32, #tpu.memory_space<hbm>>
        tpu.enqueue_dma source(%dma_start3A_40 : memref<128xi32, #tpu.memory_space<hbm>>) target(%arg6 : memref<128xi32, #tpu.memory_space<vmem>>) target_semaphore(%run_scoped3A : memref<!tpu.dma_semaphore, #tpu.memory_space<semaphore_mem>>)
        %dma_wait3A = tpu.memref_slice %arg2[%add3A] : memref<819200xi32, #tpu.memory_space<hbm>> -> memref<128xi32, #tpu.memory_space<hbm>>
        %dma_wait3A_41 = tpu.memref_slice %arg2[%add3A] : memref<819200xi32, #tpu.memory_space<hbm>> -> memref<128xi32, #tpu.memory_space<hbm>>
        tpu.wait_dma2 semaphore(%run_scoped3A : memref<!tpu.dma_semaphore, #tpu.memory_space<semaphore_mem>>) src(%dma_wait3A_41 : memref<128xi32, #tpu.memory_space<hbm>>) dst(%arg6 : memref<128xi32, #tpu.memory_space<vmem>>)
        tpu.yield
      }) : () -> ()
      "tpu.region"() ({
        %run_scoped3A = tpu.sem_alloc : memref<!tpu.dma_semaphore, #tpu.memory_space<semaphore_mem>>
        %dma_start3A = tpu.memref_slice %arg3[%add3A] : memref<819200xi32, #tpu.memory_space<hbm>> -> memref<128xi32, #tpu.memory_space<hbm>>
        %dma_start3A_40 = tpu.memref_slice %arg3[%add3A] : memref<819200xi32, #tpu.memory_space<hbm>> -> memref<128xi32, #tpu.memory_space<hbm>>
        tpu.enqueue_dma source(%dma_start3A_40 : memref<128xi32, #tpu.memory_space<hbm>>) target(%arg7 : memref<128xi32, #tpu.memory_space<vmem>>) target_semaphore(%run_scoped3A : memref<!tpu.dma_semaphore, #tpu.memory_space<semaphore_mem>>)
        %dma_wait3A = tpu.memref_slice %arg3[%add3A] : memref<819200xi32, #tpu.memory_space<hbm>> -> memref<128xi32, #tpu.memory_space<hbm>>
        %dma_wait3A_41 = tpu.memref_slice %arg3[%add3A] : memref<819200xi32, #tpu.memory_space<hbm>> -> memref<128xi32, #tpu.memory_space<hbm>>
        tpu.wait_dma2 semaphore(%run_scoped3A : memref<!tpu.dma_semaphore, #tpu.memory_space<semaphore_mem>>) src(%dma_wait3A_41 : memref<128xi32, #tpu.memory_space<hbm>>) dst(%arg7 : memref<128xi32, #tpu.memory_space<vmem>>)
        tpu.yield
      }) : () -> ()
      "tpu.region"() ({
        %run_scoped3A = tpu.sem_alloc : memref<!tpu.dma_semaphore, #tpu.memory_space<semaphore_mem>>
        %dma_start3A = arith.constant 0 : i32
        %dma_start3A_40 = arith.constant 0 : i32
        %dma_start3A_41 = tpu.memref_slice %arg4[%dma_start3A, %dma_start3A_40] : memref<51200x64xf32, #tpu.memory_space<hbm>> -> memref<51200x64xf32, #tpu.memory_space<hbm>>
        tpu.enqueue_indirect_dma source(%dma_start3A_41 : memref<51200x64xf32, #tpu.memory_space<hbm>>) target(%arg9 : memref<128x64xf32, #tpu.memory_space<vmem>>) offsets(%arg6 : memref<128xi32, #tpu.memory_space<vmem>>) semaphore(%run_scoped3A : memref<!tpu.dma_semaphore, #tpu.memory_space<semaphore_mem>>)
        %dma_wait3A = arith.constant 0 : i32
        %dma_wait3A_42 = arith.constant 0 : i32
        %dma_wait3A_43 = tpu.memref_slice %arg4[%dma_wait3A, %dma_wait3A_42] : memref<51200x64xf32, #tpu.memory_space<hbm>> -> memref<51200x64xf32, #tpu.memory_space<hbm>>
        tpu.wait_indirect_dma semaphore(%run_scoped3A : memref<!tpu.dma_semaphore, #tpu.memory_space<semaphore_mem>>) src(%dma_wait3A_43 : memref<51200x64xf32, #tpu.memory_space<hbm>>) dst(%arg9 : memref<128x64xf32, #tpu.memory_space<vmem>>)
        tpu.yield
      }) : () -> ()
      %scan3A_32 = arith.constant 0 : i32
      %scan3A_33 = arith.constant 0 : i32
      %scan3A_34 = arith.constant 8 : i32
      %scan3A_35 = arith.addi %scan3A_33, %scan3A_34 : i32
      %scan3A_36 = arith.constant 1 : i32
      %scan3A_37 = scf.for %scan3A_40 = %scan3A_33 to %scan3A_35 step %scan3A_36 iter_args(%scan3A_41 = %scan3A_32) -> (i32)  : i32 {
        %mul3A_42 = arith.constant 16 : i32
        %mul3A_43 = arith.muli %scan3A_40, %mul3A_42 : i32
        %get3A = arith.index_cast %mul3A_43 : i32 to index
        %get3A_44 = tpu.vector_load %arg7[%get3A] {strides = array<i32>} : memref<128xi32, #tpu.memory_space<vmem>>, vector<16xi32>,
        %get3A_45 = vector.shape_cast %get3A_44 : vector<16xi32> to vector<16xi32>
        %mul3A_46 = arith.constant 16 : i32
        %mul3A_47 = arith.muli %scan3A_40, %mul3A_46 : i32
        %get3A_48 = arith.index_cast %mul3A_47 : i32 to index
        %get3A_49 = tpu.vector_load %arg6[%get3A_48] {strides = array<i32>} : memref<128xi32, #tpu.memory_space<vmem>>, vector<16xi32>,
        %get3A_50 = vector.shape_cast %get3A_49 : vector<16xi32> to vector<16xi32>
        %sub3A = vector.broadcast %mul3A_13 : i32 to vector<16xi32>
        %sub3A_51 = arith.subi %get3A_45, %sub3A : vector<16xi32>
        %ge3A = arith.constant 0 : i32
        %ge3A_52 = vector.broadcast %ge3A : i32 to vector<16xi32>
        %ge3A_53 = arith.cmpi sge, %sub3A_51, %ge3A_52 : vector<16xi32>
        %lt3A = arith.constant 25600 : i32
        %lt3A_54 = vector.broadcast %lt3A : i32 to vector<16xi32>
        %lt3A_55 = arith.cmpi slt, %sub3A_51, %lt3A_54 : vector<16xi32>
        %and3A = arith.andi %ge3A_53, %lt3A_55 : vector<16xi1>
        %and3A_56 = arith.constant 511 : i32
        %and3A_57 = vector.broadcast %and3A_56 : i32 to vector<16xi32>
        %and3A_58 = arith.andi %get3A_50, %and3A_57 : vector<16xi32>
        %add3A_59 = arith.constant 25600 : i32
        %add3A_60 = vector.broadcast %add3A_59 : i32 to vector<16xi32>
        %add3A_61 = arith.addi %add3A_60, %and3A_58 : vector<16xi32>
        %select_n3A = arith.select %and3A, %sub3A_51, %add3A_61 : vector<16xi1>, vector<16xi32>
        %mul3A_62 = arith.constant 16 : i32
        %mul3A_63 = arith.muli %scan3A_40, %mul3A_62 : i32
        %swap3A = arith.index_cast %mul3A_63 : i32 to index
        %swap3A_64 = tpu.vector_load %arg8[%swap3A] {strides = array<i32>} : memref<128xi32, #tpu.memory_space<vmem>>, vector<16xi32>,
        %swap3A_65 = vector.shape_cast %swap3A_64 : vector<16xi32> to vector<16xi32>
        %swap3A_66 = vector.shape_cast %select_n3A : vector<16xi32> to vector<16xi32>
        tpu.vector_store %arg8[%swap3A], %swap3A_66 {strides = array<i32>} : memref<128xi32, #tpu.memory_space<vmem>>, vector<16xi32>,
        %scan3A_67 = arith.constant 0 : i32
        scf.yield %scan3A_67 : i32
      }
      %scan3A_38 = arith.constant 8 : i32
      "tpu.region"() ({
        %run_scoped3A = tpu.sem_alloc : memref<!tpu.dma_semaphore, #tpu.memory_space<semaphore_mem>>
        %dma_start3A = arith.constant 0 : i32
        %dma_start3A_40 = arith.constant 0 : i32
        %dma_start3A_41 = tpu.memref_slice %arg10[%dma_start3A, %dma_start3A_40] : memref<26624x64xf32, #tpu.memory_space<vmem_shared>> -> memref<26624x64xf32, #tpu.memory_space<vmem_shared>>
        tpu.enqueue_indirect_dma source(%arg9 : memref<128x64xf32, #tpu.memory_space<vmem>>) target(%dma_start3A_41 : memref<26624x64xf32, #tpu.memory_space<vmem_shared>>) offsets(%arg8 : memref<128xi32, #tpu.memory_space<vmem>>) semaphore(%run_scoped3A : memref<!tpu.dma_semaphore, #tpu.memory_space<semaphore_mem>>) {add = true}
        %dma_wait3A = arith.constant 0 : i32
        %dma_wait3A_42 = arith.constant 0 : i32
        %dma_wait3A_43 = tpu.memref_slice %arg10[%dma_wait3A, %dma_wait3A_42] : memref<26624x64xf32, #tpu.memory_space<vmem_shared>> -> memref<26624x64xf32, #tpu.memory_space<vmem_shared>>
        tpu.wait_indirect_dma semaphore(%run_scoped3A : memref<!tpu.dma_semaphore, #tpu.memory_space<semaphore_mem>>) src(%arg9 : memref<128x64xf32, #tpu.memory_space<vmem>>) dst(%dma_wait3A_43 : memref<26624x64xf32, #tpu.memory_space<vmem_shared>>)
        tpu.yield
      }) : () -> ()
      %scan3A_39 = arith.constant 0 : i32
      scf.yield %scan3A_39 : i32
    }
    %scan3A_22 = arith.constant 400 : i32
    %barrier3A_23 = arith.constant 0 : index
    tpu.barrier barrier_id(%barrier3A_23)
    %mul3A_24 = arith.constant 1600 : i32
    %mul3A_25 = arith.muli %arg1, %mul3A_24 : i32
    %mul3A_26 = arith.constant 1600 : i32
    %mul3A_27 = arith.muli %arg1, %mul3A_26 : i32
    "tpu.region"() ({
      %run_scoped3A = tpu.sem_alloc : memref<!tpu.dma_semaphore, #tpu.memory_space<semaphore_mem>>
      %dma_start3A = arith.constant 0 : i32
      %dma_start3A_28 = tpu.memref_slice %arg5[%arg0, %mul3A_27, %dma_start3A] : memref<2x25600x64xf32, #tpu.memory_space<hbm>> -> memref<1x1600x64xf32, #tpu.memory_space<hbm>>
      %dma_start3A_29 = tpu.memref_squeeze %dma_start3A_28 : memref<1x1600x64xf32, #tpu.memory_space<hbm>> -> memref<1600x64xf32, #tpu.memory_space<hbm>>
      %dma_start3A_30 = arith.constant 0 : i32
      %dma_start3A_31 = tpu.memref_slice %arg10[%mul3A_25, %dma_start3A_30] : memref<26624x64xf32, #tpu.memory_space<vmem_shared>> -> memref<1600x64xf32, #tpu.memory_space<vmem_shared>>
      tpu.enqueue_dma source(%dma_start3A_31 : memref<1600x64xf32, #tpu.memory_space<vmem_shared>>) target(%dma_start3A_29 : memref<1600x64xf32, #tpu.memory_space<hbm>>) target_semaphore(%run_scoped3A : memref<!tpu.dma_semaphore, #tpu.memory_space<semaphore_mem>>)
      %dma_wait3A = arith.constant 0 : i32
      %dma_wait3A_32 = tpu.memref_slice %arg5[%arg0, %mul3A_27, %dma_wait3A] : memref<2x25600x64xf32, #tpu.memory_space<hbm>> -> memref<1x1600x64xf32, #tpu.memory_space<hbm>>
      %dma_wait3A_33 = tpu.memref_squeeze %dma_wait3A_32 : memref<1x1600x64xf32, #tpu.memory_space<hbm>> -> memref<1600x64xf32, #tpu.memory_space<hbm>>
      %dma_wait3A_34 = arith.constant 0 : i32
      %dma_wait3A_35 = tpu.memref_slice %arg10[%mul3A_25, %dma_wait3A_34] : memref<26624x64xf32, #tpu.memory_space<vmem_shared>> -> memref<1600x64xf32, #tpu.memory_space<vmem_shared>>
      tpu.wait_dma2 semaphore(%run_scoped3A : memref<!tpu.dma_semaphore, #tpu.memory_space<semaphore_mem>>) src(%dma_wait3A_35 : memref<1600x64xf32, #tpu.memory_space<vmem_shared>>) dst(%dma_wait3A_33 : memref<1600x64xf32, #tpu.memory_space<hbm>>)
      tpu.yield
    }) : () -> ()
    return
  }
}

#map = affine_map<(d0, d1) -> (0)>
#map1 = affine_map<(d0, d1) -> (0, 0)>
module attributes {stable_mosaic.version = 14 : i64} {
  func.func @_sc_degree_body(%arg0: i32, %arg1: i32, %arg2: memref<819200xi32, #tpu.memory_space<hbm>>, %arg3: memref<2x51200xf32, #tpu.memory_space<hbm>>, %arg4: memref<128xi32, #tpu.memory_space<vmem>>, %arg5: memref<128xf32, #tpu.memory_space<vmem>>, %arg6: memref<3200xf32, #tpu.memory_space<vmem>>, %arg7: memref<51200xf32, #tpu.memory_space<vmem_shared>>) attributes {dimension_semantics = [#tpu.dimension_semantics<core_parallel>, #tpu.dimension_semantics<subcore_parallel>], iteration_bounds = array<i64: 2, 16>, scalar_prefetch = 0 : i64, scratch_operands = 4 : i64, tpu.core_type = #tpu.core_type<sc_vector_subcore>, window_params = [{transform_indices = #map}, {transform_indices = #map1}]} {
    %mul3A = arith.constant 16 : i32
    %mul3A_0 = arith.muli %arg0, %mul3A : i32
    %add3A = arith.addi %mul3A_0, %arg1 : i32
    %broadcast_in_dim3A = arith.constant 0.000000e+00 : f32
    %broadcast_in_dim3A_1 = vector.broadcast %broadcast_in_dim3A : f32 to vector<16xf32>
    %scan3A = arith.constant 0 : i32
    %scan3A_2 = arith.constant 0 : i32
    %scan3A_3 = arith.constant 200 : i32
    %scan3A_4 = arith.addi %scan3A_2, %scan3A_3 : i32
    %scan3A_5 = arith.constant 1 : i32
    %scan3A_6 = scf.for %scan3A_31 = %scan3A_2 to %scan3A_4 step %scan3A_5 iter_args(%scan3A_32 = %scan3A) -> (i32)  : i32 {
      %mul3A_33 = arith.constant 16 : i32
      %mul3A_34 = arith.muli %scan3A_31, %mul3A_33 : i32
      %swap3A = arith.index_cast %mul3A_34 : i32 to index
      %swap3A_35 = tpu.vector_load %arg6[%swap3A] {strides = array<i32>} : memref<3200xf32, #tpu.memory_space<vmem>>, vector<16xf32>,
      %swap3A_36 = vector.shape_cast %swap3A_35 : vector<16xf32> to vector<16xf32>
      %swap3A_37 = vector.shape_cast %broadcast_in_dim3A_1 : vector<16xf32> to vector<16xf32>
      tpu.vector_store %arg6[%swap3A], %swap3A_37 {strides = array<i32>} : memref<3200xf32, #tpu.memory_space<vmem>>, vector<16xf32>,
      %scan3A_38 = arith.constant 0 : i32
      scf.yield %scan3A_38 : i32
    }
    %scan3A_7 = arith.constant 200 : i32
    %mul3A_8 = arith.constant 3200 : i32
    %mul3A_9 = arith.muli %arg1, %mul3A_8 : i32
    "tpu.region"() ({
      %run_scoped3A = tpu.sem_alloc : memref<!tpu.dma_semaphore, #tpu.memory_space<semaphore_mem>>
      %dma_start3A = tpu.memref_slice %arg7[%mul3A_9] : memref<51200xf32, #tpu.memory_space<vmem_shared>> -> memref<3200xf32, #tpu.memory_space<vmem_shared>>
      %dma_start3A_31 = tpu.memref_slice %arg7[%mul3A_9] : memref<51200xf32, #tpu.memory_space<vmem_shared>> -> memref<3200xf32, #tpu.memory_space<vmem_shared>>
      tpu.enqueue_dma source(%arg6 : memref<3200xf32, #tpu.memory_space<vmem>>) target(%dma_start3A_31 : memref<3200xf32, #tpu.memory_space<vmem_shared>>) target_semaphore(%run_scoped3A : memref<!tpu.dma_semaphore, #tpu.memory_space<semaphore_mem>>)
      %dma_wait3A = tpu.memref_slice %arg7[%mul3A_9] : memref<51200xf32, #tpu.memory_space<vmem_shared>> -> memref<3200xf32, #tpu.memory_space<vmem_shared>>
      %dma_wait3A_32 = tpu.memref_slice %arg7[%mul3A_9] : memref<51200xf32, #tpu.memory_space<vmem_shared>> -> memref<3200xf32, #tpu.memory_space<vmem_shared>>
      tpu.wait_dma2 semaphore(%run_scoped3A : memref<!tpu.dma_semaphore, #tpu.memory_space<semaphore_mem>>) src(%arg6 : memref<3200xf32, #tpu.memory_space<vmem>>) dst(%dma_wait3A_32 : memref<3200xf32, #tpu.memory_space<vmem_shared>>)
      tpu.yield
    }) : () -> ()
    %scan3A_10 = arith.constant 0 : i32
    %scan3A_11 = arith.constant 0 : i32
    %scan3A_12 = arith.constant 8 : i32
    %scan3A_13 = arith.addi %scan3A_11, %scan3A_12 : i32
    %scan3A_14 = arith.constant 1 : i32
    %scan3A_15 = scf.for %scan3A_31 = %scan3A_11 to %scan3A_13 step %scan3A_14 iter_args(%scan3A_32 = %scan3A_10) -> (i32)  : i32 {
      %broadcast_in_dim3A_33 = arith.constant 1.000000e+00 : f32
      %broadcast_in_dim3A_34 = vector.broadcast %broadcast_in_dim3A_33 : f32 to vector<16xf32>
      %mul3A_35 = arith.constant 16 : i32
      %mul3A_36 = arith.muli %scan3A_31, %mul3A_35 : i32
      %swap3A = arith.index_cast %mul3A_36 : i32 to index
      %swap3A_37 = tpu.vector_load %arg5[%swap3A] {strides = array<i32>} : memref<128xf32, #tpu.memory_space<vmem>>, vector<16xf32>,
      %swap3A_38 = vector.shape_cast %swap3A_37 : vector<16xf32> to vector<16xf32>
      %swap3A_39 = vector.shape_cast %broadcast_in_dim3A_34 : vector<16xf32> to vector<16xf32>
      tpu.vector_store %arg5[%swap3A], %swap3A_39 {strides = array<i32>} : memref<128xf32, #tpu.memory_space<vmem>>, vector<16xf32>,
      %scan3A_40 = arith.constant 0 : i32
      scf.yield %scan3A_40 : i32
    }
    %scan3A_16 = arith.constant 8 : i32
    %barrier3A = arith.constant 0 : index
    tpu.barrier barrier_id(%barrier3A)
    %mul3A_17 = arith.constant 25600 : i32
    %mul3A_18 = arith.muli %add3A, %mul3A_17 : i32
    %scan3A_19 = arith.constant 0 : i32
    %scan3A_20 = arith.constant 0 : i32
    %scan3A_21 = arith.constant 200 : i32
    %scan3A_22 = arith.addi %scan3A_20, %scan3A_21 : i32
    %scan3A_23 = arith.constant 1 : i32
    %scan3A_24 = scf.for %scan3A_31 = %scan3A_20 to %scan3A_22 step %scan3A_23 iter_args(%scan3A_32 = %scan3A_19) -> (i32)  : i32 {
      %mul3A_33 = arith.constant 128 : i32
      %mul3A_34 = arith.muli %scan3A_31, %mul3A_33 : i32
      %add3A_35 = arith.addi %mul3A_18, %mul3A_34 : i32
      "tpu.region"() ({
        %run_scoped3A = tpu.sem_alloc : memref<!tpu.dma_semaphore, #tpu.memory_space<semaphore_mem>>
        %dma_start3A = tpu.memref_slice %arg2[%add3A_35] : memref<819200xi32, #tpu.memory_space<hbm>> -> memref<128xi32, #tpu.memory_space<hbm>>
        %dma_start3A_37 = tpu.memref_slice %arg2[%add3A_35] : memref<819200xi32, #tpu.memory_space<hbm>> -> memref<128xi32, #tpu.memory_space<hbm>>
        tpu.enqueue_dma source(%dma_start3A_37 : memref<128xi32, #tpu.memory_space<hbm>>) target(%arg4 : memref<128xi32, #tpu.memory_space<vmem>>) target_semaphore(%run_scoped3A : memref<!tpu.dma_semaphore, #tpu.memory_space<semaphore_mem>>)
        %dma_wait3A = tpu.memref_slice %arg2[%add3A_35] : memref<819200xi32, #tpu.memory_space<hbm>> -> memref<128xi32, #tpu.memory_space<hbm>>
        %dma_wait3A_38 = tpu.memref_slice %arg2[%add3A_35] : memref<819200xi32, #tpu.memory_space<hbm>> -> memref<128xi32, #tpu.memory_space<hbm>>
        tpu.wait_dma2 semaphore(%run_scoped3A : memref<!tpu.dma_semaphore, #tpu.memory_space<semaphore_mem>>) src(%dma_wait3A_38 : memref<128xi32, #tpu.memory_space<hbm>>) dst(%arg4 : memref<128xi32, #tpu.memory_space<vmem>>)
        tpu.yield
      }) : () -> ()
      "tpu.region"() ({
        %run_scoped3A = tpu.sem_alloc : memref<!tpu.dma_semaphore, #tpu.memory_space<semaphore_mem>>
        %dma_start3A = arith.constant 0 : i32
        %dma_start3A_37 = tpu.memref_slice %arg7[%dma_start3A] : memref<51200xf32, #tpu.memory_space<vmem_shared>> -> memref<51200xf32, #tpu.memory_space<vmem_shared>>
        tpu.enqueue_indirect_dma source(%arg5 : memref<128xf32, #tpu.memory_space<vmem>>) target(%dma_start3A_37 : memref<51200xf32, #tpu.memory_space<vmem_shared>>) offsets(%arg4 : memref<128xi32, #tpu.memory_space<vmem>>) semaphore(%run_scoped3A : memref<!tpu.dma_semaphore, #tpu.memory_space<semaphore_mem>>) {add = true}
        %dma_wait3A = arith.constant 0 : i32
        %dma_wait3A_38 = tpu.memref_slice %arg7[%dma_wait3A] : memref<51200xf32, #tpu.memory_space<vmem_shared>> -> memref<51200xf32, #tpu.memory_space<vmem_shared>>
        tpu.wait_indirect_dma semaphore(%run_scoped3A : memref<!tpu.dma_semaphore, #tpu.memory_space<semaphore_mem>>) src(%arg5 : memref<128xf32, #tpu.memory_space<vmem>>) dst(%dma_wait3A_38 : memref<51200xf32, #tpu.memory_space<vmem_shared>>)
        tpu.yield
      }) : () -> ()
      %scan3A_36 = arith.constant 0 : i32
      scf.yield %scan3A_36 : i32
    }
    %scan3A_25 = arith.constant 200 : i32
    %barrier3A_26 = arith.constant 0 : index
    tpu.barrier barrier_id(%barrier3A_26)
    %mul3A_27 = arith.constant 3200 : i32
    %mul3A_28 = arith.muli %arg1, %mul3A_27 : i32
    %mul3A_29 = arith.constant 3200 : i32
    %mul3A_30 = arith.muli %arg1, %mul3A_29 : i32
    "tpu.region"() ({
      %run_scoped3A = tpu.sem_alloc : memref<!tpu.dma_semaphore, #tpu.memory_space<semaphore_mem>>
      %dma_start3A = tpu.memref_slice %arg3[%arg0, %mul3A_30] : memref<2x51200xf32, #tpu.memory_space<hbm>> -> memref<1x3200xf32, #tpu.memory_space<hbm>>
      %dma_start3A_31 = tpu.memref_squeeze %dma_start3A : memref<1x3200xf32, #tpu.memory_space<hbm>> -> memref<3200xf32, #tpu.memory_space<hbm>>
      %dma_start3A_32 = tpu.memref_slice %arg7[%mul3A_28] : memref<51200xf32, #tpu.memory_space<vmem_shared>> -> memref<3200xf32, #tpu.memory_space<vmem_shared>>
      tpu.enqueue_dma source(%dma_start3A_32 : memref<3200xf32, #tpu.memory_space<vmem_shared>>) target(%dma_start3A_31 : memref<3200xf32, #tpu.memory_space<hbm>>) target_semaphore(%run_scoped3A : memref<!tpu.dma_semaphore, #tpu.memory_space<semaphore_mem>>)
      %dma_wait3A = tpu.memref_slice %arg3[%arg0, %mul3A_30] : memref<2x51200xf32, #tpu.memory_space<hbm>> -> memref<1x3200xf32, #tpu.memory_space<hbm>>
      %dma_wait3A_33 = tpu.memref_squeeze %dma_wait3A : memref<1x3200xf32, #tpu.memory_space<hbm>> -> memref<3200xf32, #tpu.memory_space<hbm>>
      %dma_wait3A_34 = tpu.memref_slice %arg7[%mul3A_28] : memref<51200xf32, #tpu.memory_space<vmem_shared>> -> memref<3200xf32, #tpu.memory_space<vmem_shared>>
      tpu.wait_dma2 semaphore(%run_scoped3A : memref<!tpu.dma_semaphore, #tpu.memory_space<semaphore_mem>>) src(%dma_wait3A_34 : memref<3200xf32, #tpu.memory_space<vmem_shared>>) dst(%dma_wait3A_33 : memref<3200xf32, #tpu.memory_space<hbm>>)
      tpu.yield
    }) : () -> ()
    return
  }
}

module attributes {stable_mosaic.version = 14 : i64} {
  func.func @_tc_h1_body(%arg0: i32, %arg1: memref<2x512xf32, #tpu.memory_space<vmem>>, %arg2: memref<1x64xf32, #tpu.memory_space<vmem>>, %arg3: memref<1x64xf32, #tpu.memory_space<vmem>>, %arg4: memref<64x64xf32, #tpu.memory_space<vmem>>, %arg5: memref<1x64xf32, #tpu.memory_space<vmem>>, %arg6: memref<512x64xf32, #tpu.memory_space<vmem>>) attributes {dimension_semantics = [#tpu.dimension_semantics<arbitrary>], iteration_bounds = array<i64: 100>, scalar_prefetch = 0 : i64, scratch_operands = 0 : i64, tpu.core_type = #tpu.core_type<tc>, window_params = [{transform_indices = @transform_0, window_bounds = array<i64: 2, 512>}, {pipeline_mode = #tpu.pipeline_mode<synchronous>, transform_indices = @transform_1, window_bounds = array<i64: 1, 64>}, {pipeline_mode = #tpu.pipeline_mode<synchronous>, transform_indices = @transform_2, window_bounds = array<i64: 1, 64>}, {pipeline_mode = #tpu.pipeline_mode<synchronous>, transform_indices = @transform_3, window_bounds = array<i64: 64, 64>}, {pipeline_mode = #tpu.pipeline_mode<synchronous>, transform_indices = @transform_4, window_bounds = array<i64: 1, 64>}, {transform_indices = @transform_5, window_bounds = array<i64: 512, 64>}]} {
    %get3A = arith.constant 0 : index
    %get3A_0 = arith.constant 0 : index
    %get3A_1 = vector.load %arg1[%get3A, %get3A_0] : memref<2x512xf32, #tpu.memory_space<vmem>>, vector<1x512xf32>
    %get3A_2 = vector.shape_cast %get3A_1 : vector<1x512xf32> to vector<512xf32>
    %get3A_3 = arith.constant 1 : index
    %get3A_4 = arith.constant 0 : index
    %get3A_5 = vector.load %arg1[%get3A_3, %get3A_4] : memref<2x512xf32, #tpu.memory_space<vmem>>, vector<1x512xf32>
    %get3A_6 = vector.shape_cast %get3A_5 : vector<1x512xf32> to vector<512xf32>
    %add3A = arith.addf %get3A_2, %get3A_6 : vector<512xf32>
    %add3A_7 = arith.constant 1.000000e+00 : f32
    %add3A_8 = vector.broadcast %add3A_7 : f32 to vector<512xf32>
    %add3A_9 = arith.addf %add3A, %add3A_8 : vector<512xf32>
    %broadcast_in_dim3A = vector.shape_cast %add3A_9 : vector<512xf32> to vector<512x1xf32>
    %get3A_10 = arith.constant 0 : index
    %get3A_11 = arith.constant 0 : index
    %get3A_12 = vector.load %arg2[%get3A_10, %get3A_11] : memref<1x64xf32, #tpu.memory_space<vmem>>, vector<1x64xf32>
    %get3A_13 = vector.shape_cast %get3A_12 : vector<1x64xf32> to vector<64xf32>
    %broadcast_in_dim3A_14 = vector.shape_cast %get3A_13 : vector<64xf32> to vector<1x64xf32>
    %mul3A = vector.broadcast %broadcast_in_dim3A : vector<512x1xf32> to vector<512x64xf32>
    %mul3A_15 = vector.broadcast %broadcast_in_dim3A_14 : vector<1x64xf32> to vector<512x64xf32>
    %mul3A_16 = arith.mulf %mul3A, %mul3A_15 : vector<512x64xf32>
    %get3A_17 = arith.constant 0 : index
    %get3A_18 = arith.constant 0 : index
    %get3A_19 = vector.load %arg3[%get3A_17, %get3A_18] : memref<1x64xf32, #tpu.memory_space<vmem>>, vector<1x64xf32>
    %get3A_20 = vector.shape_cast %get3A_19 : vector<1x64xf32> to vector<64xf32>
    %broadcast_in_dim3A_21 = vector.shape_cast %get3A_20 : vector<64xf32> to vector<1x64xf32>
    %add3A_22 = vector.broadcast %broadcast_in_dim3A_21 : vector<1x64xf32> to vector<512x64xf32>
    %add3A_23 = arith.addf %mul3A_16, %add3A_22 : vector<512x64xf32>
    %mul3A_24 = arith.constant 5.000000e-01 : f32
    %mul3A_25 = vector.broadcast %mul3A_24 : f32 to vector<512x64xf32>
    %mul3A_26 = arith.mulf %mul3A_25, %add3A_23 : vector<512x64xf32>
    %mul3A_27 = arith.constant 0.707106769 : f32
    %mul3A_28 = vector.broadcast %mul3A_27 : f32 to vector<512x64xf32>
    %mul3A_29 = arith.mulf %add3A_23, %mul3A_28 : vector<512x64xf32>
    %erf3A = math.erf %mul3A_29 : vector<512x64xf32>
    %add3A_30 = arith.constant 1.000000e+00 : f32
    %add3A_31 = vector.broadcast %add3A_30 : f32 to vector<512x64xf32>
    %add3A_32 = arith.addf %add3A_31, %erf3A : vector<512x64xf32>
    %mul3A_33 = arith.mulf %mul3A_26, %add3A_32 : vector<512x64xf32>
    %get3A_34 = arith.constant 0 : index
    %get3A_35 = arith.constant 0 : index
    %get3A_36 = vector.load %arg4[%get3A_34, %get3A_35] : memref<64x64xf32, #tpu.memory_space<vmem>>, vector<64x64xf32>
    %dot_general3A = arith.constant dense<0.000000e+00> : vector<512x64xf32>
    %dot_general3A_37 = tpu.matmul %mul3A_33, %get3A_36, %dot_general3A {dimension_numbers = #tpu.dot_dimension_numbers<[1], [0], [0], [1], [0, 0, 1, 1], [], []>, precision = #tpu.contract_precision<fp32>, transpose_lhs_hint = false} : vector<512x64xf32>, vector<64x64xf32>, vector<512x64xf32> -> vector<512x64xf32>
    %get3A_38 = arith.constant 0 : index
    %get3A_39 = arith.constant 0 : index
    %get3A_40 = vector.load %arg5[%get3A_38, %get3A_39] : memref<1x64xf32, #tpu.memory_space<vmem>>, vector<1x64xf32>
    %get3A_41 = vector.shape_cast %get3A_40 : vector<1x64xf32> to vector<64xf32>
    %broadcast_in_dim3A_42 = vector.shape_cast %get3A_41 : vector<64xf32> to vector<1x64xf32>
    %add3A_43 = vector.broadcast %broadcast_in_dim3A_42 : vector<1x64xf32> to vector<512x64xf32>
    %add3A_44 = arith.addf %dot_general3A_37, %add3A_43 : vector<512x64xf32>
    %mul3A_45 = arith.constant 5.000000e-01 : f32
    %mul3A_46 = vector.broadcast %mul3A_45 : f32 to vector<512x64xf32>
    %mul3A_47 = arith.mulf %mul3A_46, %add3A_44 : vector<512x64xf32>
    %mul3A_48 = arith.constant 0.707106769 : f32
    %mul3A_49 = vector.broadcast %mul3A_48 : f32 to vector<512x64xf32>
    %mul3A_50 = arith.mulf %add3A_44, %mul3A_49 : vector<512x64xf32>
    %erf3A_51 = math.erf %mul3A_50 : vector<512x64xf32>
    %add3A_52 = arith.constant 1.000000e+00 : f32
    %add3A_53 = vector.broadcast %add3A_52 : f32 to vector<512x64xf32>
    %add3A_54 = arith.addf %add3A_53, %erf3A_51 : vector<512x64xf32>
    %mul3A_55 = arith.mulf %mul3A_47, %add3A_54 : vector<512x64xf32>
    %swap3A = arith.constant 0 : index
    %swap3A_56 = arith.constant 0 : index
    %swap3A_57 = vector.load %arg6[%swap3A, %swap3A_56] : memref<512x64xf32, #tpu.memory_space<vmem>>, vector<512x64xf32>
    tpu.vector_store %arg6[%swap3A, %swap3A_56], %mul3A_55 {strides = array<i32>} : memref<512x64xf32, #tpu.memory_space<vmem>>, vector<512x64xf32>,
    return
  }
  func.func @transform_0(%arg0: i32) -> (i32, i32) {
    %c0_i32 = arith.constant 0 : i32
    %c0_i32_0 = arith.constant 0 : i32
    return %c0_i32, %arg0 : i32, i32
  }
  func.func @transform_1(%arg0: i32) -> (i32, i32) {
    %c0_i32 = arith.constant 0 : i32
    %c0_i32_0 = arith.constant 0 : i32
    %c0_i32_1 = arith.constant 0 : i32
    return %c0_i32, %c0_i32_0 : i32, i32
  }
  func.func @transform_2(%arg0: i32) -> (i32, i32) {
    %c0_i32 = arith.constant 0 : i32
    %c0_i32_0 = arith.constant 0 : i32
    %c0_i32_1 = arith.constant 0 : i32
    return %c0_i32, %c0_i32_0 : i32, i32
  }
  func.func @transform_3(%arg0: i32) -> (i32, i32) {
    %c0_i32 = arith.constant 0 : i32
    %c0_i32_0 = arith.constant 0 : i32
    %c0_i32_1 = arith.constant 0 : i32
    return %c0_i32, %c0_i32_0 : i32, i32
  }
  func.func @transform_4(%arg0: i32) -> (i32, i32) {
    %c0_i32 = arith.constant 0 : i32
    %c0_i32_0 = arith.constant 0 : i32
    %c0_i32_1 = arith.constant 0 : i32
    return %c0_i32, %c0_i32_0 : i32, i32
  }
  func.func @transform_5(%arg0: i32) -> (i32, i32) {
    %c0_i32 = arith.constant 0 : i32
    %c0_i32_0 = arith.constant 0 : i32
    return %arg0, %c0_i32 : i32, i32
  }
}

module attributes {stable_mosaic.version = 14 : i64} {
  func.func @_tc_g_body(%arg0: i32, %arg1: memref<512x64xf32, #tpu.memory_space<vmem>>, %arg2: memref<512x64xf32, #tpu.memory_space<vmem>>, %arg3: memref<64x64xf32, #tpu.memory_space<vmem>>, %arg4: memref<1x64xf32, #tpu.memory_space<vmem>>, %arg5: memref<64x64xf32, #tpu.memory_space<vmem>>, %arg6: memref<1x64xf32, #tpu.memory_space<vmem>>, %arg7: memref<64x64xf32, #tpu.memory_space<vmem>>, %arg8: memref<1x64xf32, #tpu.memory_space<vmem>>, %arg9: memref<64x1xf32, #tpu.memory_space<vmem>>, %arg10: memref<512x1xf32, #tpu.memory_space<vmem>>) attributes {dimension_semantics = [#tpu.dimension_semantics<arbitrary>], iteration_bounds = array<i64: 100>, scalar_prefetch = 0 : i64, scratch_operands = 0 : i64, tpu.core_type = #tpu.core_type<tc>, window_params = [{transform_indices = @transform_0, window_bounds = array<i64: 512, 64>}, {transform_indices = @transform_1, window_bounds = array<i64: 512, 64>}, {pipeline_mode = #tpu.pipeline_mode<synchronous>, transform_indices = @transform_2, window_bounds = array<i64: 64, 64>}, {pipeline_mode = #tpu.pipeline_mode<synchronous>, transform_indices = @transform_3, window_bounds = array<i64: 1, 64>}, {pipeline_mode = #tpu.pipeline_mode<synchronous>, transform_indices = @transform_4, window_bounds = array<i64: 64, 64>}, {pipeline_mode = #tpu.pipeline_mode<synchronous>, transform_indices = @transform_5, window_bounds = array<i64: 1, 64>}, {pipeline_mode = #tpu.pipeline_mode<synchronous>, transform_indices = @transform_6, window_bounds = array<i64: 64, 64>}, {pipeline_mode = #tpu.pipeline_mode<synchronous>, transform_indices = @transform_7, window_bounds = array<i64: 1, 64>}, {pipeline_mode = #tpu.pipeline_mode<synchronous>, transform_indices = @transform_8, window_bounds = array<i64: 64, 1>}, {transform_indices = @transform_9, window_bounds = array<i64: 512, 1>}]} {
    %get3A = arith.constant 0 : index
    %get3A_0 = arith.constant 0 : index
    %get3A_1 = vector.load %arg1[%get3A, %get3A_0] : memref<512x64xf32, #tpu.memory_space<vmem>>, vector<512x64xf32>
    %get3A_2 = arith.constant 0 : index
    %get3A_3 = arith.constant 0 : index
    %get3A_4 = vector.load %arg2[%get3A_2, %get3A_3] : memref<512x64xf32, #tpu.memory_space<vmem>>, vector<512x64xf32>
    %add3A = arith.addf %get3A_1, %get3A_4 : vector<512x64xf32>
    %get3A_5 = arith.constant 0 : index
    %get3A_6 = arith.constant 0 : index
    %get3A_7 = vector.load %arg3[%get3A_5, %get3A_6] : memref<64x64xf32, #tpu.memory_space<vmem>>, vector<64x64xf32>
    %dot_general3A = arith.constant dense<0.000000e+00> : vector<512x64xf32>
    %dot_general3A_8 = tpu.matmul %add3A, %get3A_7, %dot_general3A {dimension_numbers = #tpu.dot_dimension_numbers<[1], [0], [0], [1], [0, 0, 1, 1], [], []>, precision = #tpu.contract_precision<fp32>, transpose_lhs_hint = false} : vector<512x64xf32>, vector<64x64xf32>, vector<512x64xf32> -> vector<512x64xf32>
    %get3A_9 = arith.constant 0 : index
    %get3A_10 = arith.constant 0 : index
    %get3A_11 = vector.load %arg4[%get3A_9, %get3A_10] : memref<1x64xf32, #tpu.memory_space<vmem>>, vector<1x64xf32>
    %get3A_12 = vector.shape_cast %get3A_11 : vector<1x64xf32> to vector<64xf32>
    %broadcast_in_dim3A = vector.shape_cast %get3A_12 : vector<64xf32> to vector<1x64xf32>
    %add3A_13 = vector.broadcast %broadcast_in_dim3A : vector<1x64xf32> to vector<512x64xf32>
    %add3A_14 = arith.addf %dot_general3A_8, %add3A_13 : vector<512x64xf32>
    %mul3A = arith.constant 5.000000e-01 : f32
    %mul3A_15 = vector.broadcast %mul3A : f32 to vector<512x64xf32>
    %mul3A_16 = arith.mulf %mul3A_15, %add3A_14 : vector<512x64xf32>
    %mul3A_17 = arith.constant 0.707106769 : f32
    %mul3A_18 = vector.broadcast %mul3A_17 : f32 to vector<512x64xf32>
    %mul3A_19 = arith.mulf %add3A_14, %mul3A_18 : vector<512x64xf32>
    %erf3A = math.erf %mul3A_19 : vector<512x64xf32>
    %add3A_20 = arith.constant 1.000000e+00 : f32
    %add3A_21 = vector.broadcast %add3A_20 : f32 to vector<512x64xf32>
    %add3A_22 = arith.addf %add3A_21, %erf3A : vector<512x64xf32>
    %mul3A_23 = arith.mulf %mul3A_16, %add3A_22 : vector<512x64xf32>
    %get3A_24 = arith.constant 0 : index
    %get3A_25 = arith.constant 0 : index
    %get3A_26 = vector.load %arg5[%get3A_24, %get3A_25] : memref<64x64xf32, #tpu.memory_space<vmem>>, vector<64x64xf32>
    %dot_general3A_27 = arith.constant dense<0.000000e+00> : vector<512x64xf32>
    %dot_general3A_28 = tpu.matmul %mul3A_23, %get3A_26, %dot_general3A_27 {dimension_numbers = #tpu.dot_dimension_numbers<[1], [0], [0], [1], [0, 0, 1, 1], [], []>, precision = #tpu.contract_precision<fp32>, transpose_lhs_hint = false} : vector<512x64xf32>, vector<64x64xf32>, vector<512x64xf32> -> vector<512x64xf32>
    %get3A_29 = arith.constant 0 : index
    %get3A_30 = arith.constant 0 : index
    %get3A_31 = vector.load %arg6[%get3A_29, %get3A_30] : memref<1x64xf32, #tpu.memory_space<vmem>>, vector<1x64xf32>
    %get3A_32 = vector.shape_cast %get3A_31 : vector<1x64xf32> to vector<64xf32>
    %broadcast_in_dim3A_33 = vector.shape_cast %get3A_32 : vector<64xf32> to vector<1x64xf32>
    %add3A_34 = vector.broadcast %broadcast_in_dim3A_33 : vector<1x64xf32> to vector<512x64xf32>
    %add3A_35 = arith.addf %dot_general3A_28, %add3A_34 : vector<512x64xf32>
    %mul3A_36 = arith.constant 5.000000e-01 : f32
    %mul3A_37 = vector.broadcast %mul3A_36 : f32 to vector<512x64xf32>
    %mul3A_38 = arith.mulf %mul3A_37, %add3A_35 : vector<512x64xf32>
    %mul3A_39 = arith.constant 0.707106769 : f32
    %mul3A_40 = vector.broadcast %mul3A_39 : f32 to vector<512x64xf32>
    %mul3A_41 = arith.mulf %add3A_35, %mul3A_40 : vector<512x64xf32>
    %erf3A_42 = math.erf %mul3A_41 : vector<512x64xf32>
    %add3A_43 = arith.constant 1.000000e+00 : f32
    %add3A_44 = vector.broadcast %add3A_43 : f32 to vector<512x64xf32>
    %add3A_45 = arith.addf %add3A_44, %erf3A_42 : vector<512x64xf32>
    %mul3A_46 = arith.mulf %mul3A_38, %add3A_45 : vector<512x64xf32>
    %get3A_47 = arith.constant 0 : index
    %get3A_48 = arith.constant 0 : index
    %get3A_49 = vector.load %arg7[%get3A_47, %get3A_48] : memref<64x64xf32, #tpu.memory_space<vmem>>, vector<64x64xf32>
    %dot_general3A_50 = arith.constant dense<0.000000e+00> : vector<512x64xf32>
    %dot_general3A_51 = tpu.matmul %mul3A_46, %get3A_49, %dot_general3A_50 {dimension_numbers = #tpu.dot_dimension_numbers<[1], [0], [0], [1], [0, 0, 1, 1], [], []>, precision = #tpu.contract_precision<fp32>, transpose_lhs_hint = false} : vector<512x64xf32>, vector<64x64xf32>, vector<512x64xf32> -> vector<512x64xf32>
    %get3A_52 = arith.constant 0 : index
    %get3A_53 = arith.constant 0 : index
    %get3A_54 = vector.load %arg8[%get3A_52, %get3A_53] : memref<1x64xf32, #tpu.memory_space<vmem>>, vector<1x64xf32>
    %get3A_55 = vector.shape_cast %get3A_54 : vector<1x64xf32> to vector<64xf32>
    %broadcast_in_dim3A_56 = vector.shape_cast %get3A_55 : vector<64xf32> to vector<1x64xf32>
    %add3A_57 = vector.broadcast %broadcast_in_dim3A_56 : vector<1x64xf32> to vector<512x64xf32>
    %add3A_58 = arith.addf %dot_general3A_51, %add3A_57 : vector<512x64xf32>
    %mul3A_59 = arith.constant 5.000000e-01 : f32
    %mul3A_60 = vector.broadcast %mul3A_59 : f32 to vector<512x64xf32>
    %mul3A_61 = arith.mulf %mul3A_60, %add3A_58 : vector<512x64xf32>
    %mul3A_62 = arith.constant 0.707106769 : f32
    %mul3A_63 = vector.broadcast %mul3A_62 : f32 to vector<512x64xf32>
    %mul3A_64 = arith.mulf %add3A_58, %mul3A_63 : vector<512x64xf32>
    %erf3A_65 = math.erf %mul3A_64 : vector<512x64xf32>
    %add3A_66 = arith.constant 1.000000e+00 : f32
    %add3A_67 = vector.broadcast %add3A_66 : f32 to vector<512x64xf32>
    %add3A_68 = arith.addf %add3A_67, %erf3A_65 : vector<512x64xf32>
    %mul3A_69 = arith.mulf %mul3A_61, %add3A_68 : vector<512x64xf32>
    %get3A_70 = arith.constant 0 : index
    %get3A_71 = arith.constant 0 : index
    %get3A_72 = vector.load %arg9[%get3A_70, %get3A_71] : memref<64x1xf32, #tpu.memory_space<vmem>>, vector<64x1xf32>
    %dot_general3A_73 = arith.constant dense<0.000000e+00> : vector<512x1xf32>
    %dot_general3A_74 = tpu.matmul %mul3A_69, %get3A_72, %dot_general3A_73 {dimension_numbers = #tpu.dot_dimension_numbers<[1], [0], [0], [1], [0, 0, 1, 1], [], []>, precision = #tpu.contract_precision<fp32>, transpose_lhs_hint = false} : vector<512x64xf32>, vector<64x1xf32>, vector<512x1xf32> -> vector<512x1xf32>
    %swap3A = arith.constant 0 : index
    %swap3A_75 = arith.constant 0 : index
    %swap3A_76 = vector.load %arg10[%swap3A, %swap3A_75] : memref<512x1xf32, #tpu.memory_space<vmem>>, vector<512x1xf32>
    tpu.vector_store %arg10[%swap3A, %swap3A_75], %dot_general3A_74 {strides = array<i32>} : memref<512x1xf32, #tpu.memory_space<vmem>>, vector<512x1xf32>,
    return
  }
  func.func @transform_0(%arg0: i32) -> (i32, i32) {
    %c0_i32 = arith.constant 0 : i32
    %c0_i32_0 = arith.constant 0 : i32
    return %arg0, %c0_i32 : i32, i32
  }
  func.func @transform_1(%arg0: i32) -> (i32, i32) {
    %c0_i32 = arith.constant 0 : i32
    %c0_i32_0 = arith.constant 0 : i32
    return %arg0, %c0_i32 : i32, i32
  }
  func.func @transform_2(%arg0: i32) -> (i32, i32) {
    %c0_i32 = arith.constant 0 : i32
    %c0_i32_0 = arith.constant 0 : i32
    %c0_i32_1 = arith.constant 0 : i32
    return %c0_i32, %c0_i32_0 : i32, i32
  }
  func.func @transform_3(%arg0: i32) -> (i32, i32) {
    %c0_i32 = arith.constant 0 : i32
    %c0_i32_0 = arith.constant 0 : i32
    %c0_i32_1 = arith.constant 0 : i32
    return %c0_i32, %c0_i32_0 : i32, i32
  }
  func.func @transform_4(%arg0: i32) -> (i32, i32) {
    %c0_i32 = arith.constant 0 : i32
    %c0_i32_0 = arith.constant 0 : i32
    %c0_i32_1 = arith.constant 0 : i32
    return %c0_i32, %c0_i32_0 : i32, i32
  }
  func.func @transform_5(%arg0: i32) -> (i32, i32) {
    %c0_i32 = arith.constant 0 : i32
    %c0_i32_0 = arith.constant 0 : i32
    %c0_i32_1 = arith.constant 0 : i32
    return %c0_i32, %c0_i32_0 : i32, i32
  }
  func.func @transform_6(%arg0: i32) -> (i32, i32) {
    %c0_i32 = arith.constant 0 : i32
    %c0_i32_0 = arith.constant 0 : i32
    %c0_i32_1 = arith.constant 0 : i32
    return %c0_i32, %c0_i32_0 : i32, i32
  }
  func.func @transform_7(%arg0: i32) -> (i32, i32) {
    %c0_i32 = arith.constant 0 : i32
    %c0_i32_0 = arith.constant 0 : i32
    %c0_i32_1 = arith.constant 0 : i32
    return %c0_i32, %c0_i32_0 : i32, i32
  }
  func.func @transform_8(%arg0: i32) -> (i32, i32) {
    %c0_i32 = arith.constant 0 : i32
    %c0_i32_0 = arith.constant 0 : i32
    %c0_i32_1 = arith.constant 0 : i32
    return %c0_i32, %c0_i32_0 : i32, i32
  }
  func.func @transform_9(%arg0: i32) -> (i32, i32) {
    %c0_i32 = arith.constant 0 : i32
    %c0_i32_0 = arith.constant 0 : i32
    return %arg0, %c0_i32 : i32, i32
  }
}

module attributes {stable_mosaic.version = 14 : i64} {
  func.func @_tc_final_body(%arg0: memref<2x2048xf32, #tpu.memory_space<vmem>>, %arg1: memref<1x1xf32, #tpu.memory_space<vmem>>, %arg2: memref<1x2048xf32, #tpu.memory_space<vmem>>) attributes {dimension_semantics = [], scalar_prefetch = 0 : i64, scratch_operands = 0 : i64, tpu.core_type = #tpu.core_type<tc>} {
    %get3A = arith.constant 0 : index
    %get3A_0 = arith.constant 0 : index
    %get3A_1 = vector.load %arg0[%get3A, %get3A_0] : memref<2x2048xf32, #tpu.memory_space<vmem>>, vector<1x2048xf32>
    %get3A_2 = arith.constant 1 : index
    %get3A_3 = arith.constant 0 : index
    %get3A_4 = vector.load %arg0[%get3A_2, %get3A_3] : memref<2x2048xf32, #tpu.memory_space<vmem>>, vector<1x2048xf32>
    %add3A = arith.addf %get3A_1, %get3A_4 : vector<1x2048xf32>
    %get3A_5 = arith.constant 0 : index
    %get3A_6 = arith.constant 0 : index
    %get3A_7 = vector.load %arg1[%get3A_5, %get3A_6] : memref<1x1xf32, #tpu.memory_space<vmem>>, vector<1x1xf32>
    %get3A_8 = vector.extract %get3A_7[0, 0] : f32 from vector<1x1xf32>
    %add3A_9 = vector.broadcast %get3A_8 : f32 to vector<1x2048xf32>
    %add3A_10 = arith.addf %add3A, %add3A_9 : vector<1x2048xf32>
    %swap3A = arith.constant 0 : index
    %swap3A_11 = arith.constant 0 : index
    %swap3A_12 = vector.load %arg2[%swap3A, %swap3A_11] : memref<1x2048xf32, #tpu.memory_space<vmem>>, vector<1x2048xf32>
    tpu.vector_store %arg2[%swap3A, %swap3A_11], %add3A_10 {strides = array<i32>} : memref<1x2048xf32, #tpu.memory_space<vmem>>, vector<1x2048xf32>,
    return
  }
}

</mosaic_0001>

<sc_bundles>
// kernel: kernel.11.cloned.1.call-start
scs
__scs_entry_jumppad:
0x0: {  	(pc) =	sbr.rel $0x88, $3  }
0x1: {  	(tag) =	ssettag $0x0;
	lr =	simm.s32 $0x1  }
0x2: {  	[smem:$0x3F93] =	sst lr;
	_ =	strace $0xD0000000  }
0x3: {  	_ = 	snop  }
0x4: {  	_ = 	snop  }
0x5: {  	_ = 	snop  }
0x6: {  	_ = 	snop  }
0x7: {  	_ = 	snop  }
__scs_overlays_trampoline_lowered:
0x8: {  	[smem:$0x3FA2] =	sst s0  }
0x9: {  	[smem:$0x3FA3] =	sst s1  }
0xa: {  	[smem:$0x3FA4] =	sst s2  }
0xb: {  	[smem:$0x3FA5] =	sst s3  }
0xc: {  	[smem:$0x3FA6] =	sst s4  }
0xd: {  	[smem:$0x3FA7] =	sst s5  }
0xe: {  	[smem:$0x3FA8] =	sst s6  }
0xf: {  	[smem:$0x3FA9] =	sst s7  }
0x10: {  	[smem:$0x3FAA] =	sst s8  }
0x11: {  	[smem:$0x3FAB] =	sst s9;
	s0 =	simm.s32 @!p0 $0x0  }
0x12: {  	s1 =	sld [smem:$0x3F91];
	s0 =	simm.s32 @p0 $0x1  }
0x13: {  	[smem:$0x3FAC] =	sst s0;
	s0 =	simm.s32 @!p1 $0x0  }
0x14: {  	s2 =	sld [smem:$0x3F90];
	s0 =	simm.s32 @p1 $0x1  }
0x15: {  	[smem:$0x3FAD] =	sst s0;
	s0 =	simm.s32 @!p2 $0x0  }
0x16: {  	s3 =	sld [smem:$0x3FDB];
	s0 =	simm.s32 @p2 $0x1  }
0x17: {  	s4 =	simm.s32 $0x1BF5;
	[smem:$0x3FAF] =	sst s0  }
0x18: {  	s0 =	sld [smem:$0x3F92];
	_ =	swait.ge [sflag:s4], $0x0  }
0x19: {  	s7 =	sld [smem:$0x3F93]  }
0x1a: {  	s8 =	sadd.s32 $0xFFFFE003, lr  }
0x1b: {  	s9 =	sadd.s32 $0xFFFFFEF7, lr;
	s5 =	simm.s32 $0xFFFFFFFF;
	p2 =	slt.u32 s8, $0xFFFFF086  }
0x1c: {  	p1 =	slt.u32 s9, $0xF7A;
	s5 =	simm.s32 @!p2 $0x0  }
0x1d: {  	s5 =	simm.s32 @p1 $0x1;
	p0 =	seq.s32 s7, s2  }
0x1e: {  	s7 =	smul.u32 @!p0 $0xF7A, s2;
	p2 =	seq.s32 @!p0 s5, $0x0  }
0x1f: {  	s9 =	smul.u32 $0xF7A, s1;
	s8 =	simm.s32 @!p0 $0x1BF5;
	p2 =	por !p2, p0  }
0x20: {  	[sflag:s8] =	ssyncset.s32 @!p0 $0xFFFFF086;
	s6 =	sadd.s32 @!p0 s3, s7;
	s7 =	simm.s32 @!p0 $0x108  }
0x21: {  	s3 =	sadd.s32 s3, s9;
	s6 =	sadd.s32 @!p0 $0x88, s6;
	s7 =	simm.s32 @p2 $0x1082  }
0x22: {  	[simem:s7], [sflag:s8] =	dma.local @!p0 [hbm:s6], $0xF7A  }
0x23: {  	s9 =	sor.u32 $0xD0000000, s2;
	s6 =	simm.s32 $0x108;
	_ =	swait.ge @!p0 [sflag:s8], $0x0  }
0x24: {  	s3 =	sadd.s32 $0x88, s3;
	s6 =	simm.s32 @!p1 $0x1082;
	[sflag:s4] =	ssyncset.s32 $0xFFFFF086  }
0x25: {  	[simem:s6], [sflag:s4] =	dma.local [hbm:s3], $0xF7A  }
0x26: {  	[smem:$0x3F93] =	sst s1;
	(tag) =	ssettag s2;
	_ =	strace s9  }
0x27: {  	s1 =	sld [smem:$0x3FA3]  }
0x28: {  	s2 =	sld [smem:$0x3FA4]  }
0x29: {  	s4 =	sld [smem:$0x3FA6]  }
0x2a: {  	p0 =	seq.s32 s5, $0x0;
	s5 =	sld [smem:$0x3FA7]  }
0x2b: {  	s6 =	sld [smem:$0x3FA8]  }
0x2c: {  	s7 =	sld [smem:$0x3FA9]  }
0x2d: {  	s3 =	simm.s32 $0x108;
	s8 =	sld [smem:$0x3FAA]  }
0x2e: {  	s3 =	simm.s32 @!p0 $0x1082;
	s9 =	sld [smem:$0x3FAB]  }
0x2f: {  	lr =	sadd.s32 s0, s3;
	s0 =	sld [smem:$0x3FA2]  }
0x30: {  	s3 =	sld [smem:$0x3FA5]  }
0x31: {  	[smem:$0x3FAE] =	sst s10  }
0x32: {  	s10 =	sld [smem:$0x3FAC];
	_ =	sdelay $0x3  }
0x33: {  	p0 =	seq.s32 s10, $0x1;
	s10 =	sld [smem:$0x3FAE];
	_ =	sdelay $0x3  }
0x34: {  	[smem:$0x3FAE] =	sst s10  }
0x35: {  	s10 =	sld [smem:$0x3FAD];
	_ =	sdelay $0x3  }
0x36: {  	p1 =	seq.s32 s10, $0x1;
	s10 =	sld [smem:$0x3FAE];
	_ =	sdelay $0x3  }
0x37: {  	[smem:$0x3FAE] =	sst s10  }
0x38: {  	s10 =	sld [smem:$0x3FAF]  }
0x39: {  	_ = 	snop;
	(pc) =	sbr.ind lr, $3  }
0x3a: {  	_ = 	snop  }
0x3b: {  	_ = 	snop  }
0x3c: {  	p2 =	seq.s32 s10, $0x1;
	s10 =	sld [smem:$0x3FAE]  }
0x3d: {  	_ =	shalt  }
0x3e: {  	_ =	shalt  }
0x3f: {  	_ =	shalt  }
0x40: {  	_ =	shalt  }
0x41: {  	_ =	shalt  }
0x42: {  	_ =	shalt  }
0x43: {  	_ =	shalt  }
0x44: {  	_ =	shalt  }
0x45: {  	_ =	shalt  }
0x46: {  	_ =	shalt  }
0x47: {  	_ =	shalt  }
0x48: {  	_ =	shalt  }
0x49: {  	_ =	shalt  }
0x4a: {  	_ =	shalt  }
0x4b: {  	_ =	shalt  }
0x4c: {  	_ =	shalt  }
0x4d: {  	_ =	shalt  }
0x4e: {  	_ =	shalt  }
0x4f: {  	_ =	shalt  }
0x50: {  	_ =	shalt  }
0x51: {  	_ =	shalt  }
0x52: {  	_ =	shalt  }
0x53: {  	_ =	shalt  }
0x54: {  	_ =	shalt  }
0x55: {  	_ =	shalt  }
0x56: {  	_ =	shalt  }
0x57: {  	_ =	shalt  }
0x58: {  	_ =	shalt  }
0x59: {  	_ =	shalt  }
0x5a: {  	_ =	shalt  }
0x5b: {  	_ =	shalt  }
0x5c: {  	_ =	shalt  }
0x5d: {  	_ =	shalt  }
0x5e: {  	_ =	shalt  }
0x5f: {  	_ =	shalt  }
0x60: {  	_ =	shalt  }
0x61: {  	_ =	shalt  }
0x62: {  	_ =	shalt  }
0x63: {  	_ =	shalt  }
0x64: {  	_ =	shalt  }
0x65: {  	_ =	shalt  }
0x66: {  	_ =	shalt  }
0x67: {  	_ =	shalt  }
0x68: {  	_ =	shalt  }
0x69: {  	_ =	shalt  }
0x6a: {  	_ =	shalt  }
0x6b: {  	_ =	shalt  }
0x6c: {  	_ =	shalt  }
0x6d: {  	_ =	shalt  }
0x6e: {  	_ =	shalt  }
0x6f: {  	_ =	shalt  }
0x70: {  	_ =	shalt  }
0x71: {  	_ =	shalt  }
0x72: {  	_ =	shalt  }
0x73: {  	_ =	shalt  }
0x74: {  	_ =	shalt  }
0x75: {  	_ =	shalt  }
0x76: {  	_ =	shalt  }
0x77: {  	_ =	shalt  }
0x78: {  	_ =	shalt  }
0x79: {  	_ =	shalt  }
0x7a: {  	_ =	shalt  }
0x7b: {  	_ =	shalt  }
0x7c: {  	_ =	shalt  }
0x7d: {  	_ =	shalt  }
0x7e: {  	_ =	shalt  }
0x7f: {  	_ =	shalt  }
0x80: {  	_ =	shalt  }
0x81: {  	_ =	shalt  }
0x82: {  	_ =	shalt  }
0x83: {  	_ =	shalt  }
0x84: {  	_ =	shalt  }
0x85: {  	_ =	shalt  }
0x86: {  	_ =	shalt  }
0x87: {  	_ =	shalt  }
.Lfunc_end0:
.L_simem_size_0:
called_computation.1_lowered:
.L_overlay_start_0:
0x88: {  	s2 =	sld [smem:$0x3FD9]  }
0x89: {  	s3 =	sld [smem:$0x3FFE];
	_ =	sdelay $0x1  }
0x8a: {  	s1 =	srdreg.scid  }
0x8b: {  	s0 =	sand.u32 $0x1, s1  }
0x8c: {  	s16 =	sshll.u32 s0, $0xA;
	s2 =	sadd.s32 s3, s2  }
0x8d: {  	s2 =	sadd.s32 s2, s16  }
0x8e: {  	[smem:$0x3FBA] =	sst s2  }
0x8f: {  	_ = 	snop  }
0x90: {  	(tm) =	ssettm $0x1  }
0x91: {  	s17 =	sld [smem:$0x3FFB];
	_ =	sdelay $0x3  }
0x92: {  	_ =	strace s17  }
0x93: {  	s2 =	sld [smem:$0x3FFC];
	_ =	sdelay $0x3  }
0x94: {  	_ =	strace s2  }
0x95: {  	s2 =	sld [smem:$0x3FFD];
	_ =	sdelay $0x3  }
0x96: {  	_ =	strace s2  }
0x97: {  	_ =	strace $0x8FFFFFFF  }
0x98: {  	s18 =	sld [smem:$0x3FDB];
	_ =	sdelay $0x1  }
0x99: {  	s19 =	simm.s32 $_scs_section_size  }
0x9a: {  	s4 =	simm.s32 $_size__tile_overlayer_lowered;
	s5 =	simm.s32 $_tile_overlayer_lowered  }
0x9b: {  	s22 =	simm.s32 $0x1BFF;
	s21 =	sshll.u32 s5, $0x1;
	s2 =	sadd.s32 s19, s18  }
0x9c: {  	s6 =	simm.s32 $0x0;
	s20 =	sshll.u32 s4, $0x1;
	s4 =	sadd.s32 s21, s2  }
0x9d: {  	[timem:s6], [sflag:s22] =	dma.local [hbm:s4], s20  }
0x9e: {  	_ =	swait.ge [sflag:s22], s20  }
0x9f: {  	s3 =	ssub.s32 $0x0, s20;
	[sflag:s22] =	ssyncset.done $0x0  }
0xa0: {  	[sflag:s22] =	ssyncadd.s32 s3;
	_ =	sdelay $0x1  }
0xa1: {  	s23 =	simm.s32 $0x1B8B  }
0xa2: {  	_ =	swait.ge [sflag:s23], $0x1  }
0xa3: {  	[sflag:s23] =	ssyncset.done $0x0  }
0xa4: {  	s25 =	simm.s32 $0x1B8E;
	s24 =	sld [smem:$0x3FFE];
	[sflag:s23] =	ssyncadd.s32 $0xFFFFFFFF  }
0xa5: {  	s26 =	simm.s32 $execute0_lowered;
	[smem:$0x3FD2] =	sst s25  }
0xa6: {  	s4 =	sshll.u32 s26, $0x1;
	_ =	strace $0x80000049;
	[dreg:$0x1] =	wrdreg $0xFFFFFFFF  }
0xa7: {  	s28 =	simm.s32 $_size_execute0_lowered;
	s2 =	sadd.s32 s2, s4;
	[dreg:$0x0] =	wrdreg $0x0  }
0xa8: {  	s4 =	sshll.u32 s28, $0x1;
	[dreg:$0x2] =	wrdreg s2  }
0xa9: {  	[dreg:$0x3] =	wrdreg s4  }
0xaa: {  	[dreg:$0x4] =	wrdreg $0xC0  }
0xab: {  	_ =	task [dreg:s6], $0x5FFFF  }
0xac: {  	[dreg:$0x1] =	wrdreg $0xFFFFFFFF  }
0xad: {  	[dreg:$0x0] =	wrdreg $0x60  }
0xae: {  	[dreg:$0x2] =	wrdreg s24  }
0xaf: {  	[dreg:$0x3] =	wrdreg $0x21800  }
0xb0: {  	[dreg:$0x4] =	wrdreg $0x9  }
0xb1: {  	_ =	task.clear_ibuf [dreg:s6], $0x5FFFF;
	_ =	strace $0x90000049  }
0xb2: {  	s29 =	simm.s32 $0x9;
	_ =	strace $0x8000004B  }
0xb3: {  	_ =	swait.ge [sflag:s29], $0x1  }
0xb4: {  	[sflag:s29] =	ssyncadd.s32 $0xFFFFFFFF  }
0xb5: {  	_ =	strace $0x9000004B  }
0xb6: {  	_ =	sfence  }
0xb7: {  	s30 =	sld [smem:$0x0];
	_ =	sdelay $0x2  }
0xb8: {  	s31 =	sshll.u32 s1, $0xD;
	s1 =	sshrl.u32 s1, $0x2  }
0xb9: {  	s3 =	sand.u32 $0x4000, s31;
	s1 =	sadd.s32 s1, s30  }
0xba: {  	s0 =	sor.u32 s3, s0;
	s1 =	sshll.u32 s1, $0x11  }
0xbb: {  	s0 =	sor.u32 s1, s0  }
0xbc: {  	s0 =	sadd.s32 $0x8F2B, s0  }
0xbd: {  	[sflag:s0] =	ssyncadd.remote.s32 $0x1  }
0xbe: {  	_ =	sfence.sel $0xFFFF  }
0xbf: {  	[dreg:$0x0] =	wrdreg $0xFFFFFFFF;
	(pc) =	sbr.abs _section_cstart, $3  }
0xc0: {  	[dreg:$0x1] =	wrdreg $0xFFFFFFFF  }
0xc1: {  	_ =	task.clear_ibuf [dreg:s6], $0x2FFFF;
	_ =	strace $0x9FFFFFFF  }
0xc2: {  	(tm) =	ssettm $0x7FFFFFFF  }
0xc3: {  	_ =	shalt  }
tec
execute0_lowered:
.L_overlay_start_1:
0x0: {  	(tag) =	ssettag $0x1  }
0x1: {  	s5 =	rddreg [dreg:$0x0];
	s0 =	stileid.u32  }
0x2: {  	s1 =	srdreg.scid;
	s2 =	rddreg [dreg:$0x1];
	s3 =	simm.s32 $0x0  }
0x3: {  	s22 =	simm.s32 $0x180;
	s23 =	simm.s32 $0x1;
	s4 =	smul.u32 $0x1900, s0  }
0x4: {  	s24 =	simm.s32 $0x80;
	s28 =	simm.s32 $0x0;
	s8 =	smul.u32 $0x19000, s0  }
0x5: {  	s6 =	sand.u32 $0x1, s1;
	[smem:$0x7FF] =	sst s3;
	s9 =	smul.u32 $0x68000, s0  }
0x6: {  	s1 =	rddreg [dreg:$0x2];
	s7 =	smul.u32 $0x190000, s6;
	_ =	strace $0x8000004A  }
0x7: {  	s10 =	ssub.s32 $0x2, s6;
	s25 =	smul.u32 $0xFFFF9C00, s6;
	s21 =	sadd.s32 s4, s5  }
0x8: {  	s4 =	sadd.s32 $0xFB600, s5;
	s11 =	sshrl.u32 s10, $0x1;
	s9 =	sshrl.u32 s9, $0x2  }
0x9: {  	s26 =	sadd.s32 s8, s2;
	s7 =	sadd.s32 s8, s7;
	s10 =	ssub.s32 s10, s11  }
0xa: {  	s20 =	sadd.s32 $0x1600, s21;
	s21 =	sadd.s32 $0x1A600, s21;
	s7 =	sshrl.u32 s7, $0x3  }
0xb: {  	v0 =	vmov s25;
	s25 =	sshrl.u32 s26, $0x3;
	s26 =	simm.s32 $0x100;
	s7 =	sadd.s32 s7, s5  }
0xc: {  	s5 =	sadd.s32 s9, s2;
	s6 =	sadd.s32 $0x15F600, s7;
	s7 =	smax.u32 s10, $0x1  }
0xd: {  	s8 =	sadd.s32 $0x2000, s5;
	s9 =	sadd.s32 $0x4000, s5;
	s10 =	sadd.s32 $0x6000, s5  }
0xe: {  	s11 =	sadd.s32 $0x8000, s5;
	s12 =	sadd.s32 $0xA000, s5;
	s13 =	sadd.s32 $0xC000, s5  }
0xf: {  	s14 =	sadd.s32 $0xE000, s5;
	s15 =	sadd.s32 $0x10000, s5;
	s16 =	sadd.s32 $0x12000, s5  }
0x10: {  	v1 =	vimm.f32 $0.0e+00;
	s17 =	sadd.s32 $0x14000, s5;
	s18 =	sadd.s32 $0x16000, s5;
	s19 =	sadd.s32 $0x18000, s5  }
.LBB2_1:
0x11: {  	s30 =	simm.s32 $0x100;
	s29 =	simm.s32 $0x0  }
.LBB2_2:
0x12: {  	p0 =	sne.s32 s30, $0x7F00;
	[tilespmem:s29+$0x1B0] =	vst v1;
	s31 =	smov.u32 s30;
	s30 =	sadd.s32 $0x100, s30  }
.Ltmp0:
0x13: {  	[tilespmem:s29+$0x1A0] =	vst v1;
	(pc) =	sbr.rel @p0 .LBB2_2-.Ltmp0, $3  }
0x14: {  	[tilespmem:s29+$0x180] =	vst v1  }
0x15: {  	[tilespmem:s29+$0x190] =	vst v1;
	_ =	sdelay $0x1  }
0x16: {  	s29 =	sshra.s32 s31, $0x2  }
0x17: {  	[tilespmem:s29+$0x1B0] =	vst v1  }
0x18: {  	[tilespmem:s29+$0x1A0] =	vst v1  }
0x19: {  	[tilespmem:s29+$0x180] =	vst v1  }
0x1a: {  	[tilespmem:s29+$0x190] =	vst v1  }
0x1b: {  	[spmem:s5] =	stream.linear.scatter [tilespmem:s22], [sflag:$0x1], $0x2000, $0x38;
	[tilespmem:$0x1C180] =	vst v63  }
0x1c: {  	_ =	swait.ge [sflag:s23], $0x2000  }
0x1d: {  	[sflag:s23] =	ssyncset.done $0x0  }
0x1e: {  	[sflag:s23] =	ssyncadd.s32 $0xFFFFE000  }
0x1f: {  	[spmem:s8] =	stream.linear.scatter [tilespmem:s22], [sflag:$0x1], $0x2000, $0x38;
	[tilespmem:$0x1C180] =	vst v63  }
0x20: {  	_ =	swait.ge [sflag:s23], $0x2000  }
0x21: {  	[sflag:s23] =	ssyncset.done $0x0  }
0x22: {  	[sflag:s23] =	ssyncadd.s32 $0xFFFFE000  }
0x23: {  	[spmem:s9] =	stream.linear.scatter [tilespmem:s22], [sflag:$0x1], $0x2000, $0x38;
	[tilespmem:$0x1C180] =	vst v63  }
0x24: {  	_ =	swait.ge [sflag:s23], $0x2000  }
0x25: {  	[sflag:s23] =	ssyncset.done $0x0  }
0x26: {  	[sflag:s23] =	ssyncadd.s32 $0xFFFFE000  }
0x27: {  	[spmem:s10] =	stream.linear.scatter [tilespmem:s22], [sflag:$0x1], $0x2000, $0x38;
	[tilespmem:$0x1C180] =	vst v63  }
0x28: {  	_ =	swait.ge [sflag:s23], $0x2000  }
0x29: {  	[sflag:s23] =	ssyncset.done $0x0  }
0x2a: {  	[sflag:s23] =	ssyncadd.s32 $0xFFFFE000  }
0x2b: {  	[spmem:s11] =	stream.linear.scatter [tilespmem:s22], [sflag:$0x1], $0x2000, $0x38;
	[tilespmem:$0x1C180] =	vst v63  }
0x2c: {  	_ =	swait.ge [sflag:s23], $0x2000  }
0x2d: {  	[sflag:s23] =	ssyncset.done $0x0  }
0x2e: {  	[sflag:s23] =	ssyncadd.s32 $0xFFFFE000  }
0x2f: {  	[spmem:s12] =	stream.linear.scatter [tilespmem:s22], [sflag:$0x1], $0x2000, $0x38;
	[tilespmem:$0x1C180] =	vst v63  }
0x30: {  	_ =	swait.ge [sflag:s23], $0x2000  }
0x31: {  	[sflag:s23] =	ssyncset.done $0x0  }
0x32: {  	[sflag:s23] =	ssyncadd.s32 $0xFFFFE000  }
0x33: {  	[spmem:s13] =	stream.linear.scatter [tilespmem:s22], [sflag:$0x1], $0x2000, $0x38;
	[tilespmem:$0x1C180] =	vst v63  }
0x34: {  	_ =	swait.ge [sflag:s23], $0x2000  }
0x35: {  	[sflag:s23] =	ssyncset.done $0x0  }
0x36: {  	[sflag:s23] =	ssyncadd.s32 $0xFFFFE000  }
0x37: {  	[spmem:s14] =	stream.linear.scatter [tilespmem:s22], [sflag:$0x1], $0x2000, $0x38;
	[tilespmem:$0x1C180] =	vst v63  }
0x38: {  	_ =	swait.ge [sflag:s23], $0x2000  }
0x39: {  	[sflag:s23] =	ssyncset.done $0x0  }
0x3a: {  	[sflag:s23] =	ssyncadd.s32 $0xFFFFE000  }
0x3b: {  	[spmem:s15] =	stream.linear.scatter [tilespmem:s22], [sflag:$0x1], $0x2000, $0x38;
	[tilespmem:$0x1C180] =	vst v63  }
0x3c: {  	_ =	swait.ge [sflag:s23], $0x2000  }
0x3d: {  	[sflag:s23] =	ssyncset.done $0x0  }
0x3e: {  	[sflag:s23] =	ssyncadd.s32 $0xFFFFE000  }
0x3f: {  	[spmem:s16] =	stream.linear.scatter [tilespmem:s22], [sflag:$0x1], $0x2000, $0x38;
	[tilespmem:$0x1C180] =	vst v63  }
0x40: {  	_ =	swait.ge [sflag:s23], $0x2000  }
0x41: {  	[sflag:s23] =	ssyncset.done $0x0  }
0x42: {  	[sflag:s23] =	ssyncadd.s32 $0xFFFFE000  }
0x43: {  	[spmem:s17] =	stream.linear.scatter [tilespmem:s22], [sflag:$0x1], $0x2000, $0x38;
	[tilespmem:$0x1C180] =	vst v63  }
0x44: {  	_ =	swait.ge [sflag:s23], $0x2000  }
0x45: {  	[sflag:s23] =	ssyncset.done $0x0  }
0x46: {  	[sflag:s23] =	ssyncadd.s32 $0xFFFFE000  }
0x47: {  	[spmem:s18] =	stream.linear.scatter [tilespmem:s22], [sflag:$0x1], $0x2000, $0x38;
	[tilespmem:$0x1C180] =	vst v63  }
0x48: {  	_ =	swait.ge [sflag:s23], $0x2000  }
0x49: {  	[sflag:s23] =	ssyncset.done $0x0  }
0x4a: {  	[sflag:s23] =	ssyncadd.s32 $0xFFFFE000  }
0x4b: {  	[spmem:s19] =	stream.linear.scatter [tilespmem:s22], [sflag:$0x1], $0x2000, $0x38;
	[tilespmem:$0x1C180] =	vst v63  }
0x4c: {  	_ =	swait.ge [sflag:s23], $0x2000  }
0x4d: {  	[sflag:s23] =	ssyncset.done $0x0  }
0x4e: {  	[sflag:s23] =	ssyncadd.s32 $0xFFFFE000  }
0x4f: {  	s29 =	sadd.s32 $0x0, s21;
	[bflag:$0x0] =	sbarrier.arrive $0xFFFF  }
0x50: {  	[tilespmem:s3], [sflag:$0x1] =	stream.linear.gather [hbm4b:s29+s3], $0x80, $0x38;
	[tilespmem:$0x1C180] =	vst v63  }
0x51: {  	_ =	swait.ge [sflag:s23], $0x80  }
0x52: {  	[sflag:s23] =	ssyncset.done $0x0  }
0x53: {  	s29 =	sadd.s32 $0x0, s20;
	[sflag:s23] =	ssyncadd.s32 $0xFFFFFF80  }
0x54: {  	[tilespmem:s24], [sflag:$0x1] =	stream.linear.gather [hbm4b:s29+s3], $0x80, $0x38;
	[tilespmem:$0x1C180] =	vst v63  }
0x55: {  	_ =	swait.ge [sflag:s23], $0x80  }
0x56: {  	[sflag:s23] =	ssyncset.done $0x0  }
0x57: {  	[sflag:s23] =	ssyncadd.s32 $0xFFFFFF80  }
0x58: {  	[tilespmem:s22], [sflag:$0x1] =	stream.indirect.gather [hbm4b:s4+s24], $0x40, s3, s24, $0xb8;
	[tilespmem:$0x1C180] =	vst v63  }
0x59: {  	_ =	swait.ge [sflag:s23], $0x2000  }
0x5a: {  	[sflag:s23] =	ssyncset.done $0x0  }
0x5b: {  	[sflag:s23] =	ssyncadd.s32 $0xFFFFE000  }
0x5c: {  	v2 =	vld [tilespmem:$0x70]  }
0x5d: {  	s29 =	simm.s32 $0x10;
	v3 =	vld [tilespmem:$0xF0]  }
.LBB2_4:
0x5e: {  	p0 =	sne.s32 s29, $0x18F0;
	v4 =	vld [tilespmem:$0x90];
	s30 =	smov.u32 s29;
	s29 =	sadd.s32 $0x10, s29  }
0x5f: {  	v5 =	vld [tilespmem:$0x20]  }
0x60: {  	v6 =	vld [tilespmem:$0x50]  }
0x61: {  	v7 =	vld [tilespmem:$0xD0]  }
0x62: {  	v8 =	vld [tilespmem:$0x10]  }
0x63: {  	v9 =	vld [tilespmem:$0x0]  }
0x64: {  	v10 =	vld [tilespmem:$0x60]  }
0x65: {  	v11 =	vld [tilespmem:$0xE0]  }
0x66: {  	v6 =	vand.u32 $0x1FF, v6;
	v12 =	vld [tilespmem:$0x80];
	v7 =	vadd.s32 v0, v7  }
0x67: {  	v6 =	vor.u32 $0x6400, v6;
	v8 =	vand.u32 $0x1FF, v8;
	v13 =	vld [tilespmem:$0xB0];
	vm0 =	vlt.u32 v7, $0x6400  }
0x68: {  	v4 =	vadd.s32 v0, v4;
	v8 =	vor.u32 $0x6400, v8;
	v14 =	vld [tilespmem:$0xA0];
	v6 =	vsel vm0, v7, v6  }
0x69: {  	v7 =	vand.u32 $0x1FF, v9;
	vm0 =	vlt.u32 v4, $0x6400;
	v9 =	vld [tilespmem:$0x30];
	[tilespmem:$0x150] =	vst v6;
	v6 =	vand.u32 $0x1FF, v10  }
0x6a: {  	v3 =	vadd.s32 v0, v3;
	v4 =	vsel vm0, v4, v8;
	v8 =	vld [tilespmem:$0xC0];
	v10 =	vadd.s32 v0, v11  }
0x6b: {  	v2 =	vand.u32 $0x1FF, v2;
	v11 =	vadd.s32 v0, v12;
	[tilespmem:$0x110] =	vst v4;
	v4 =	vand.u32 $0x1FF, v5;
	v5 =	vld [tilespmem:$0x40]  }
0x6c: {  	v2 =	vor.u32 $0x6400, v2;
	v4 =	vor.u32 $0x6400, v4;
	v12 =	vadd.s32 v0, v13  }
0x6d: {  	v7 =	vor.u32 $0x6400, v7;
	vm0 =	vlt.u32 v3, $0x6400;
	v13 =	vadd.s32 v0, v14  }
0x6e: {  	v2 =	vsel vm0, v3, v2;
	vm2 =	vlt.u32 v10, $0x6400;
	vm1 =	vlt.u32 v13, $0x6400  }
0x6f: {  	v6 =	vor.u32 $0x6400, v6;
	v3 =	vsel vm1, v13, v4;
	v4 =	vand.u32 $0x1FF, v9;
	[tilespmem:$0x170] =	vst v2  }
0x70: {  	vm0 =	vlt.u32 v11, $0x6400;
	v2 =	vadd.s32 v0, v8;
	[tilespmem:$0x120] =	vst v3;
	v3 =	vsel vm2, v10, v6  }
0x71: {  	vm1 =	vlt.u32 v12, $0x6400;
	v4 =	vor.u32 $0x6400, v4;
	v5 =	vand.u32 $0x1FF, v5;
	[tilespmem:$0x160] =	vst v3  }
0x72: {  	v3 =	vsel vm1, v12, v4;
	vm1 =	vlt.u32 v2, $0x6400;
	v4 =	vor.u32 $0x6400, v5  }
0x73: {  	v5 =	vsel vm0, v11, v7;
	v2 =	vsel vm1, v2, v4;
	[tilespmem:$0x130] =	vst v3  }
0x74: {  	[tilespmem:$0x140] =	vst v2  }
0x75: {  	[tilespmem:$0x100] =	vst v5  }
0x76: {  	[spmem:s2] =	stream.indirect.scatter.add.f32 [tilespmem:s22], [sflag:$0x1], $0x40, s26, s24, $0xb8;
	[tilespmem:$0x1C180] =	vst v63  }
0x77: {  	_ =	swait.ge [sflag:s23], $0x2000  }
0x78: {  	[sflag:s23] =	ssyncset.done $0x0  }
0x79: {  	s31 =	sadd.s32 s30, s21;
	[sflag:s23] =	ssyncadd.s32 $0xFFFFE000  }
0x7a: {  	[tilespmem:s3], [sflag:$0x1] =	stream.linear.gather [hbm4b:s31+s3], $0x80, $0x38;
	[tilespmem:$0x1C180] =	vst v63  }
0x7b: {  	_ =	swait.ge [sflag:s23], $0x80  }
0x7c: {  	[sflag:s23] =	ssyncset.done $0x0  }
0x7d: {  	s30 =	sadd.s32 s30, s20;
	[sflag:s23] =	ssyncadd.s32 $0xFFFFFF80  }
0x7e: {  	[tilespmem:s24], [sflag:$0x1] =	stream.linear.gather [hbm4b:s30+s3], $0x80, $0x38;
	[tilespmem:$0x1C180] =	vst v63  }
0x7f: {  	_ =	swait.ge [sflag:s23], $0x80  }
0x80: {  	[sflag:s23] =	ssyncset.done $0x0  }
0x81: {  	[sflag:s23] =	ssyncadd.s32 $0xFFFFFF80  }
0x82: {  	[tilespmem:s22], [sflag:$0x1] =	stream.indirect.gather [hbm4b:s4+s24], $0x40, s3, s24, $0xb8;
	[tilespmem:$0x1C180] =	vst v63  }
.Ltmp1:
0x83: {  	_ =	swait.ge [sflag:s23], $0x2000;
	(pc) =	sbr.rel @p0 .LBB2_4-.Ltmp1, $4  }
0x84: {  	[sflag:s23] =	ssyncset.done $0x0  }
0x85: {  	[sflag:s23] =	ssyncadd.s32 $0xFFFFE000  }
0x86: {  	v2 =	vld [tilespmem:$0x70]  }
0x87: {  	v3 =	vld [tilespmem:$0xF0]  }
0x88: {  	v4 =	vld [tilespmem:$0x90]  }
0x89: {  	v5 =	vld [tilespmem:$0x20]  }
0x8a: {  	v6 =	vld [tilespmem:$0x50]  }
0x8b: {  	v7 =	vld [tilespmem:$0xD0]  }
0x8c: {  	v8 =	vld [tilespmem:$0x10]  }
0x8d: {  	v9 =	vld [tilespmem:$0x0]  }
0x8e: {  	v10 =	vld [tilespmem:$0x60]  }
0x8f: {  	v11 =	vld [tilespmem:$0xE0]  }
0x90: {  	v12 =	vld [tilespmem:$0x80]  }
0x91: {  	v13 =	vld [tilespmem:$0xB0]  }
0x92: {  	v14 =	vld [tilespmem:$0xA0]  }
0x93: {  	v57 =	vld [tilespmem:$0x30];
	v2 =	vand.u32 $0x1FF, v2  }
0x94: {  	v15 =	vld [tilespmem:$0x40];
	v3 =	vadd.s32 v0, v3;
	v2 =	vor.u32 $0x6400, v2  }
0x95: {  	v7 =	vadd.s32 v0, v7;
	v6 =	vand.u32 $0x1FF, v6;
	v8 =	vand.u32 $0x1FF, v8  }
0x96: {  	v4 =	vadd.s32 v0, v4;
	v56 =	vand.u32 $0x1FF, v9;
	v10 =	vand.u32 $0x1FF, v10  }
0x97: {  	v11 =	vadd.s32 v0, v11;
	v5 =	vand.u32 $0x1FF, v5;
	v12 =	vadd.s32 v0, v12  }
0x98: {  	v13 =	vadd.s32 v0, v13;
	v14 =	vadd.s32 v0, v14;
	vm12 =	vlt.u32 v3, $0x6400  }
0x99: {  	v58 =	vld [tilespmem:$0xC0];
	v60 =	vand.u32 $0x1FF, v57;
	v61 =	vand.u32 $0x1FF, v15;
	vm0 =	vlt.u32 v7, $0x6400  }
0x9a: {  	v6 =	vor.u32 $0x6400, v6;
	v8 =	vor.u32 $0x6400, v8;
	v2 =	vsel vm12, v3, v2  }
0x9b: {  	vm11 =	vlt.u32 v4, $0x6400;
	v5 =	vor.u32 $0x6400, v5;
	v6 =	vsel vm0, v7, v6;
	[tilespmem:$0x170] =	vst v2  }
0x9c: {  	vm1 =	vlt.u32 v14, $0x6400;
	vm2 =	vlt.u32 v11, $0x6400;
	v4 =	vsel vm11, v4, v8;
	[tilespmem:$0x150] =	vst v6  }
0x9d: {  	v59 =	vor.u32 $0x6400, v10;
	vm13 =	vlt.u32 v13, $0x6400;
	v3 =	vsel vm1, v14, v5;
	[tilespmem:$0x110] =	vst v4  }
0x9e: {  	v2 =	vadd.s32 v0, v58;
	v4 =	vsel vm2, v11, v59;
	[tilespmem:$0x120] =	vst v3;
	v3 =	vor.u32 $0x6400, v60  }
0x9f: {  	v62 =	vor.u32 $0x6400, v61;
	vm14 =	vlt.u32 v2, $0x6400;
	[tilespmem:$0x160] =	vst v4;
	v3 =	vsel vm13, v13, v3  }
0xa0: {  	v63 =	vor.u32 $0x6400, v56;
	vm15 =	vlt.u32 v12, $0x6400;
	v2 =	vsel vm14, v2, v62;
	[tilespmem:$0x130] =	vst v3  }
0xa1: {  	v3 =	vsel vm15, v12, v63;
	[tilespmem:$0x140] =	vst v2  }
0xa2: {  	[tilespmem:$0x100] =	vst v3  }
0xa3: {  	[spmem:s2] =	stream.indirect.scatter.add.f32 [tilespmem:s22], [sflag:$0x1], $0x40, s26, s24, $0xb8;
	[tilespmem:$0x1C180] =	vst v63  }
0xa4: {  	_ =	swait.ge [sflag:s23], $0x2000  }
0xa5: {  	s28 =	sadd.s32 $0x1, s28;
	[sflag:s23] =	ssyncset.done $0x0  }
0xa6: {  	s29 =	sshll.u32 s0, $0x6;
	p0 =	sne.s32 s28, s7;
	[sflag:s23] =	ssyncadd.s32 $0xFFFFE000  }
.Ltmp2:
0xa7: {  	s29 =	sor.u32 $0x1C01, s29;
	[bflag:$0x0] =	sbarrier.arrive $0xFFFF;
	(pc) =	sbr.rel @p0 .LBB2_1-.Ltmp2, $4  }
0xa8: {  	[hbm:s6], [sflag:s29] =	dma.local [spmem:s25], $0x3200  }
0xa9: {  	_ =	swait.ge [sflag:s23], $0x3200  }
0xaa: {  	[sflag:s23] =	ssyncset.done $0x0  }
0xab: {  	[sflag:s23] =	ssyncadd.s32 $0xFFFFCE00  }
0xac: {  	_ =	sfence.sel $0x180000  }
0xad: {  	[bflag:$0x0] =	sbarrier.arrive $0xFFFF  }
0xae: {  	p0 =	sne.s32 s0, $0x0;
	_ =	strace $0x9000004A  }
0xaf: {  	s0 =	sadd.s32 @!p0 $0x100000, s1;
	[bflag:$0x2] =	sbarrier.arrive $0xFFFF  }
0xb0: {  	[sflag:s0] =	ssyncadd.tile.s32 @!p0 $0x1;
	_ =	shalt  }
.Lfunc_end2:
_tile_overlayer_lowered:
.L_overlay_start_2:
0xb1: {  	(tag) =	ssettag $0x2  }
0xb2: {  	s0 =	rddreg [dreg:$0x0];
	s2 =	stileid.u32  }
0xb3: {  	s1 =	rddreg [dreg:$0x1];
	p0 =	sne.s32 s2, $0x0  }
0xb4: {  	s3 =	rddreg [dreg:$0x2];
	[bflag:$0x3] =	sbarrier.arrive $0xFFFF;
	s2 =	simm.s32 @!p0 $0x1C01  }
0xb5: {  	[timem:s3], [sflag:s2] =	dma.local @!p0 [hbm:s0], s1  }
0xb6: {  	s0 =	simm.s32 @!p0 $0x1  }
0xb7: {  	_ =	swait.ge @!p0 [sflag:s0], s1  }
0xb8: {  	s1 =	ssub.s32 @!p0 $0x0, s1;
	[sflag:s0] =	ssyncset.done @!p0 $0x0  }
0xb9: {  	[sflag:s0] =	ssyncadd.s32 @!p0 s1  }
0xba: {  	[bflag:$0x3] =	sbarrier.arrive $0xFFFF  }
0xbb: {  	_ =	shalt  }

// kernel: kernel.14.cloned.1.call-start
scs
__scs_entry_jumppad:
0x0: {  	(pc) =	sbr.rel $0x88, $3  }
0x1: {  	(tag) =	ssettag $0x0;
	lr =	simm.s32 $0x1  }
0x2: {  	[smem:$0x3F93] =	sst lr;
	_ =	strace $0xD0000000  }
0x3: {  	_ = 	snop  }
0x4: {  	_ = 	snop  }
0x5: {  	_ = 	snop  }
0x6: {  	_ = 	snop  }
0x7: {  	_ = 	snop  }
__scs_overlays_trampoline_lowered:
0x8: {  	[smem:$0x3FA2] =	sst s0  }
0x9: {  	[smem:$0x3FA3] =	sst s1  }
0xa: {  	[smem:$0x3FA4] =	sst s2  }
0xb: {  	[smem:$0x3FA5] =	sst s3  }
0xc: {  	[smem:$0x3FA6] =	sst s4  }
0xd: {  	[smem:$0x3FA7] =	sst s5  }
0xe: {  	[smem:$0x3FA8] =	sst s6  }
0xf: {  	[smem:$0x3FA9] =	sst s7  }
0x10: {  	[smem:$0x3FAA] =	sst s8  }
0x11: {  	[smem:$0x3FAB] =	sst s9;
	s0 =	simm.s32 @!p0 $0x0  }
0x12: {  	s1 =	sld [smem:$0x3F91];
	s0 =	simm.s32 @p0 $0x1  }
0x13: {  	[smem:$0x3FAC] =	sst s0;
	s0 =	simm.s32 @!p1 $0x0  }
0x14: {  	s2 =	sld [smem:$0x3F90];
	s0 =	simm.s32 @p1 $0x1  }
0x15: {  	[smem:$0x3FAD] =	sst s0;
	s0 =	simm.s32 @!p2 $0x0  }
0x16: {  	s3 =	sld [smem:$0x3FDB];
	s0 =	simm.s32 @p2 $0x1  }
0x17: {  	s4 =	simm.s32 $0x1BF5;
	[smem:$0x3FAF] =	sst s0  }
0x18: {  	s0 =	sld [smem:$0x3F92];
	_ =	swait.ge [sflag:s4], $0x0  }
0x19: {  	s7 =	sld [smem:$0x3F93]  }
0x1a: {  	s8 =	sadd.s32 $0xFFFFE003, lr  }
0x1b: {  	s9 =	sadd.s32 $0xFFFFFEF7, lr;
	s5 =	simm.s32 $0xFFFFFFFF;
	p2 =	slt.u32 s8, $0xFFFFF086  }
0x1c: {  	p1 =	slt.u32 s9, $0xF7A;
	s5 =	simm.s32 @!p2 $0x0  }
0x1d: {  	s5 =	simm.s32 @p1 $0x1;
	p0 =	seq.s32 s7, s2  }
0x1e: {  	s7 =	smul.u32 @!p0 $0xF7A, s2;
	p2 =	seq.s32 @!p0 s5, $0x0  }
0x1f: {  	s9 =	smul.u32 $0xF7A, s1;
	s8 =	simm.s32 @!p0 $0x1BF5;
	p2 =	por !p2, p0  }
0x20: {  	[sflag:s8] =	ssyncset.s32 @!p0 $0xFFFFF086;
	s6 =	sadd.s32 @!p0 s3, s7;
	s7 =	simm.s32 @!p0 $0x108  }
0x21: {  	s3 =	sadd.s32 s3, s9;
	s6 =	sadd.s32 @!p0 $0x88, s6;
	s7 =	simm.s32 @p2 $0x1082  }
0x22: {  	[simem:s7], [sflag:s8] =	dma.local @!p0 [hbm:s6], $0xF7A  }
0x23: {  	s9 =	sor.u32 $0xD0000000, s2;
	s6 =	simm.s32 $0x108;
	_ =	swait.ge @!p0 [sflag:s8], $0x0  }
0x24: {  	s3 =	sadd.s32 $0x88, s3;
	s6 =	simm.s32 @!p1 $0x1082;
	[sflag:s4] =	ssyncset.s32 $0xFFFFF086  }
0x25: {  	[simem:s6], [sflag:s4] =	dma.local [hbm:s3], $0xF7A  }
0x26: {  	[smem:$0x3F93] =	sst s1;
	(tag) =	ssettag s2;
	_ =	strace s9  }
0x27: {  	s1 =	sld [smem:$0x3FA3]  }
0x28: {  	s2 =	sld [smem:$0x3FA4]  }
0x29: {  	s4 =	sld [smem:$0x3FA6]  }
0x2a: {  	p0 =	seq.s32 s5, $0x0;
	s5 =	sld [smem:$0x3FA7]  }
0x2b: {  	s6 =	sld [smem:$0x3FA8]  }
0x2c: {  	s7 =	sld [smem:$0x3FA9]  }
0x2d: {  	s3 =	simm.s32 $0x108;
	s8 =	sld [smem:$0x3FAA]  }
0x2e: {  	s3 =	simm.s32 @!p0 $0x1082;
	s9 =	sld [smem:$0x3FAB]  }
0x2f: {  	lr =	sadd.s32 s0, s3;
	s0 =	sld [smem:$0x3FA2]  }
0x30: {  	s3 =	sld [smem:$0x3FA5]  }
0x31: {  	[smem:$0x3FAE] =	sst s10  }
0x32: {  	s10 =	sld [smem:$0x3FAC];
	_ =	sdelay $0x3  }
0x33: {  	p0 =	seq.s32 s10, $0x1;
	s10 =	sld [smem:$0x3FAE];
	_ =	sdelay $0x3  }
0x34: {  	[smem:$0x3FAE] =	sst s10  }
0x35: {  	s10 =	sld [smem:$0x3FAD];
	_ =	sdelay $0x3  }
0x36: {  	p1 =	seq.s32 s10, $0x1;
	s10 =	sld [smem:$0x3FAE];
	_ =	sdelay $0x3  }
0x37: {  	[smem:$0x3FAE] =	sst s10  }
0x38: {  	s10 =	sld [smem:$0x3FAF]  }
0x39: {  	_ = 	snop;
	(pc) =	sbr.ind lr, $3  }
0x3a: {  	_ = 	snop  }
0x3b: {  	_ = 	snop  }
0x3c: {  	p2 =	seq.s32 s10, $0x1;
	s10 =	sld [smem:$0x3FAE]  }
0x3d: {  	_ =	shalt  }
0x3e: {  	_ =	shalt  }
0x3f: {  	_ =	shalt  }
0x40: {  	_ =	shalt  }
0x41: {  	_ =	shalt  }
0x42: {  	_ =	shalt  }
0x43: {  	_ =	shalt  }
0x44: {  	_ =	shalt  }
0x45: {  	_ =	shalt  }
0x46: {  	_ =	shalt  }
0x47: {  	_ =	shalt  }
0x48: {  	_ =	shalt  }
0x49: {  	_ =	shalt  }
0x4a: {  	_ =	shalt  }
0x4b: {  	_ =	shalt  }
0x4c: {  	_ =	shalt  }
0x4d: {  	_ =	shalt  }
0x4e: {  	_ =	shalt  }
0x4f: {  	_ =	shalt  }
0x50: {  	_ =	shalt  }
0x51: {  	_ =	shalt  }
0x52: {  	_ =	shalt  }
0x53: {  	_ =	shalt  }
0x54: {  	_ =	shalt  }
0x55: {  	_ =	shalt  }
0x56: {  	_ =	shalt  }
0x57: {  	_ =	shalt  }
0x58: {  	_ =	shalt  }
0x59: {  	_ =	shalt  }
0x5a: {  	_ =	shalt  }
0x5b: {  	_ =	shalt  }
0x5c: {  	_ =	shalt  }
0x5d: {  	_ =	shalt  }
0x5e: {  	_ =	shalt  }
0x5f: {  	_ =	shalt  }
0x60: {  	_ =	shalt  }
0x61: {  	_ =	shalt  }
0x62: {  	_ =	shalt  }
0x63: {  	_ =	shalt  }
0x64: {  	_ =	shalt  }
0x65: {  	_ =	shalt  }
0x66: {  	_ =	shalt  }
0x67: {  	_ =	shalt  }
0x68: {  	_ =	shalt  }
0x69: {  	_ =	shalt  }
0x6a: {  	_ =	shalt  }
0x6b: {  	_ =	shalt  }
0x6c: {  	_ =	shalt  }
0x6d: {  	_ =	shalt  }
0x6e: {  	_ =	shalt  }
0x6f: {  	_ =	shalt  }
0x70: {  	_ =	shalt  }
0x71: {  	_ =	shalt  }
0x72: {  	_ =	shalt  }
0x73: {  	_ =	shalt  }
0x74: {  	_ =	shalt  }
0x75: {  	_ =	shalt  }
0x76: {  	_ =	shalt  }
0x77: {  	_ =	shalt  }
0x78: {  	_ =	shalt  }
0x79: {  	_ =	shalt  }
0x7a: {  	_ =	shalt  }
0x7b: {  	_ =	shalt  }
0x7c: {  	_ =	shalt  }
0x7d: {  	_ =	shalt  }
0x7e: {  	_ =	shalt  }
0x7f: {  	_ =	shalt  }
0x80: {  	_ =	shalt  }
0x81: {  	_ =	shalt  }
0x82: {  	_ =	shalt  }
0x83: {  	_ =	shalt  }
0x84: {  	_ =	shalt  }
0x85: {  	_ =	shalt  }
0x86: {  	_ =	shalt  }
0x87: {  	_ =	shalt  }
.Lfunc_end0:
.L_simem_size_0:
called_computation.2_lowered:
.L_overlay_start_0:
0x88: {  	s2 =	sld [smem:$0x3FD9]  }
0x89: {  	s3 =	sld [smem:$0x3FFE];
	_ =	sdelay $0x1  }
0x8a: {  	s1 =	srdreg.scid  }
0x8b: {  	s0 =	sand.u32 $0x1, s1  }
0x8c: {  	s16 =	sshll.u32 s0, $0xA;
	s2 =	sadd.s32 s3, s2  }
0x8d: {  	s2 =	sadd.s32 s2, s16  }
0x8e: {  	[smem:$0x3FBA] =	sst s2  }
0x8f: {  	_ = 	snop  }
0x90: {  	(tm) =	ssettm $0x1  }
0x91: {  	s17 =	sld [smem:$0x3FFB];
	_ =	sdelay $0x3  }
0x92: {  	_ =	strace s17  }
0x93: {  	s2 =	sld [smem:$0x3FFC];
	_ =	sdelay $0x3  }
0x94: {  	_ =	strace s2  }
0x95: {  	s2 =	sld [smem:$0x3FFD];
	_ =	sdelay $0x3  }
0x96: {  	_ =	strace s2  }
0x97: {  	_ =	strace $0x8FFFFFFF  }
0x98: {  	s18 =	sld [smem:$0x3FDB];
	_ =	sdelay $0x1  }
0x99: {  	s19 =	simm.s32 $_scs_section_size  }
0x9a: {  	s4 =	simm.s32 $_size__tile_overlayer_lowered;
	s5 =	simm.s32 $_tile_overlayer_lowered  }
0x9b: {  	s22 =	simm.s32 $0x1BFF;
	s21 =	sshll.u32 s5, $0x1;
	s2 =	sadd.s32 s19, s18  }
0x9c: {  	s6 =	simm.s32 $0x0;
	s20 =	sshll.u32 s4, $0x1;
	s4 =	sadd.s32 s21, s2  }
0x9d: {  	[timem:s6], [sflag:s22] =	dma.local [hbm:s4], s20  }
0x9e: {  	_ =	swait.ge [sflag:s22], s20  }
0x9f: {  	s3 =	ssub.s32 $0x0, s20;
	[sflag:s22] =	ssyncset.done $0x0  }
0xa0: {  	[sflag:s22] =	ssyncadd.s32 s3;
	_ =	sdelay $0x1  }
0xa1: {  	s23 =	simm.s32 $0x1B8B  }
0xa2: {  	_ =	swait.ge [sflag:s23], $0x1  }
0xa3: {  	[sflag:s23] =	ssyncset.done $0x0  }
0xa4: {  	s25 =	simm.s32 $0x1B8E;
	s24 =	sld [smem:$0x3FFE];
	[sflag:s23] =	ssyncadd.s32 $0xFFFFFFFF  }
0xa5: {  	s26 =	simm.s32 $execute0_lowered;
	[smem:$0x3FD2] =	sst s25  }
0xa6: {  	s4 =	sshll.u32 s26, $0x1;
	_ =	strace $0x8000004C;
	[dreg:$0x1] =	wrdreg $0xFFFFFFFF  }
0xa7: {  	s28 =	simm.s32 $_size_execute0_lowered;
	s2 =	sadd.s32 s2, s4;
	[dreg:$0x0] =	wrdreg $0x0  }
0xa8: {  	s4 =	sshll.u32 s28, $0x1;
	[dreg:$0x2] =	wrdreg s2  }
0xa9: {  	[dreg:$0x3] =	wrdreg s4  }
0xaa: {  	[dreg:$0x4] =	wrdreg $0xC0  }
0xab: {  	_ =	task [dreg:s6], $0x5FFFF  }
0xac: {  	[dreg:$0x1] =	wrdreg $0xFFFFFFFF  }
0xad: {  	[dreg:$0x0] =	wrdreg $0x60  }
0xae: {  	[dreg:$0x2] =	wrdreg s24  }
0xaf: {  	[dreg:$0x3] =	wrdreg $0x2000  }
0xb0: {  	[dreg:$0x4] =	wrdreg $0x9  }
0xb1: {  	_ =	task.clear_ibuf [dreg:s6], $0x5FFFF;
	_ =	strace $0x9000004C  }
0xb2: {  	s29 =	simm.s32 $0x9;
	_ =	strace $0x8000004E  }
0xb3: {  	_ =	swait.ge [sflag:s29], $0x1  }
0xb4: {  	[sflag:s29] =	ssyncadd.s32 $0xFFFFFFFF  }
0xb5: {  	_ =	strace $0x9000004E  }
0xb6: {  	_ =	sfence  }
0xb7: {  	s30 =	sld [smem:$0x0];
	_ =	sdelay $0x2  }
0xb8: {  	s31 =	sshll.u32 s1, $0xD;
	s1 =	sshrl.u32 s1, $0x2  }
0xb9: {  	s3 =	sand.u32 $0x4000, s31;
	s1 =	sadd.s32 s1, s30  }
0xba: {  	s0 =	sor.u32 s3, s0;
	s1 =	sshll.u32 s1, $0x11  }
0xbb: {  	s0 =	sor.u32 s1, s0  }
0xbc: {  	s0 =	sadd.s32 $0x8F2B, s0  }
0xbd: {  	[sflag:s0] =	ssyncadd.remote.s32 $0x1  }
0xbe: {  	_ =	sfence.sel $0xFFFF  }
0xbf: {  	[dreg:$0x0] =	wrdreg $0xFFFFFFFF;
	(pc) =	sbr.abs _section_cstart, $3  }
0xc0: {  	[dreg:$0x1] =	wrdreg $0xFFFFFFFF  }
0xc1: {  	_ =	task.clear_ibuf [dreg:s6], $0x2FFFF;
	_ =	strace $0x9FFFFFFF  }
0xc2: {  	(tm) =	ssettm $0x7FFFFFFF  }
0xc3: {  	_ =	shalt  }
tec
execute0_lowered:
.L_overlay_start_1:
0x0: {  	(tag) =	ssettag $0x1  }
0x1: {  	s6 =	rddreg [dreg:$0x0]  }
0x2: {  	s2 =	rddreg [dreg:$0x1]  }
0x3: {  	s0 =	srdreg.scid;
	s1 =	rddreg [dreg:$0x2];
	s3 =	simm.s32 $0x0  }
0x4: {  	s10 =	simm.s32 $0x1;
	s11 =	simm.s32 $0x80;
	s4 =	sand.u32 $0x1, s0  }
0x5: {  	s12 =	simm.s32 $0x50;
	s0 =	stileid.u32;
	s5 =	smul.u32 $0x6400, s4  }
0x6: {  	s15 =	simm.s32 $0x0;
	[smem:$0x7FF] =	sst s3;
	s7 =	smul.u32 $0x640, s0  }
0x7: {  	_ =	strace $0x8000004D;
	s26 =	sshll.u32 s4, $0x4;
	s4 =	ssub.s32 $0x2, s4  }
0x8: {  	s28 =	smul.u32 $0x280, s0;
	s9 =	sshll.u32 s0, $0x5;
	s31 =	sshll.u32 s0, $0x7  }
0x9: {  	s13 =	sshll.u32 s0, $0x6;
	s29 =	sshrl.u32 s4, $0x1;
	s5 =	sadd.s32 s7, s5  }
0xa: {  	s14 =	sadd.s32 s31, s2;
	s13 =	sor.u32 $0x1C01, s13;
	s5 =	sshrl.u32 s5, $0x3  }
0xb: {  	s30 =	sshrl.u32 s28, $0x2;
	s14 =	sshrl.u32 s14, $0x3;
	s8 =	sadd.s32 s5, s6  }
0xc: {  	s5 =	sadd.s32 s26, s6;
	s6 =	ssub.s32 s4, s29;
	s4 =	sadd.s32 s30, s2  }
0xd: {  	s5 =	sadd.s32 s9, s5;
	s6 =	smax.u32 s6, $0x1;
	s7 =	sadd.s32 $0x1C3600, s8  }
0xe: {  	v0 =	vimm.f32 $0.0e+00;
	s8 =	sadd.s32 $0x1600, s8;
	s9 =	simm.s32 $0x100;
	s5 =	sadd.s32 $0x3000, s5  }
.LBB2_1:
0xf: {  	[tilespmem:$0x100] =	vst v0  }
0x10: {  	[tilespmem:$0x110] =	vst v0  }
0x11: {  	[tilespmem:$0x120] =	vst v0  }
0x12: {  	[tilespmem:$0x130] =	vst v0  }
0x13: {  	[tilespmem:$0x140] =	vst v0  }
0x14: {  	[tilespmem:$0x150] =	vst v0  }
0x15: {  	[tilespmem:$0x160] =	vst v0  }
0x16: {  	[tilespmem:$0x170] =	vst v0  }
0x17: {  	[tilespmem:$0x180] =	vst v0  }
0x18: {  	[tilespmem:$0x190] =	vst v0  }
0x19: {  	[spmem:s4] =	stream.linear.scatter [tilespmem:s9], [sflag:$0x1], $0xA0, $0x38;
	[tilespmem:$0x2A0] =	vst v63  }
0x1a: {  	_ =	swait.ge [sflag:s10], $0xA0  }
0x1b: {  	[sflag:s10] =	ssyncset.done $0x0  }
0x1c: {  	[sflag:s10] =	ssyncadd.s32 $0xFFFFFF60  }
0x1d: {  	s16 =	sadd.s32 $0x0, s8;
	[bflag:$0x0] =	sbarrier.arrive $0xFFFF  }
0x1e: {  	[tilespmem:s3], [sflag:$0x1] =	stream.linear.gather [hbm4b:s16+s3], $0x50, $0x38;
	[tilespmem:$0x2A0] =	vst v63  }
0x1f: {  	_ =	swait.ge [sflag:s10], $0x50  }
0x20: {  	[sflag:s10] =	ssyncset.done $0x0  }
0x21: {  	s31 =	sadd.s32 $0x0, s7;
	[sflag:s10] =	ssyncadd.s32 $0xFFFFFFB0  }
0x22: {  	[tilespmem:s11], [sflag:$0x1] =	stream.linear.gather [hbm4b:s31+s3], $0x50, $0x38;
	[tilespmem:$0x2A0] =	vst v63  }
0x23: {  	_ =	swait.ge [sflag:s10], $0x50  }
0x24: {  	[sflag:s10] =	ssyncset.done $0x0  }
0x25: {  	[sflag:s10] =	ssyncadd.s32 $0xFFFFFFB0  }
0x26: {  	[spmem:s2] =	stream.indirect.scatter.add.f32 [tilespmem:s3], [sflag:$0x1], $0x1, s11, s12, $0xb8;
	[tilespmem:$0x2A0] =	vst v63  }
0x27: {  	_ =	swait.ge [sflag:s10], $0x50  }
0x28: {  	s17 =	simm.s32 $0x14;
	s16 =	simm.s32 $0xA;
	[sflag:s10] =	ssyncset.done $0x0  }
.LBB2_2:
0x29: {  	s18 =	sadd.s32 s16, s8  }
0x2a: {  	[sflag:s10] =	ssyncadd.s32 $0xFFFFFFB0;
	s19 =	smov.u32 s17;
	s20 =	sadd.s32 $0xA, s17  }
0x2b: {  	[tilespmem:s3], [sflag:$0x1] =	stream.linear.gather [hbm4b:s18+s3], $0x50, $0x38;
	[tilespmem:$0x2A0] =	vst v63  }
0x2c: {  	p0 =	sne.s32 s17, $0xBE;
	_ =	swait.ge [sflag:s10], $0x50  }
0x2d: {  	[sflag:s10] =	ssyncset.done $0x0  }
0x2e: {  	s17 =	sadd.s32 s16, s7;
	s16 =	smov.u32 s19;
	[sflag:s10] =	ssyncadd.s32 $0xFFFFFFB0  }
0x2f: {  	[tilespmem:s11], [sflag:$0x1] =	stream.linear.gather [hbm4b:s17+s3], $0x50, $0x38;
	[tilespmem:$0x2A0] =	vst v63  }
0x30: {  	_ =	swait.ge [sflag:s10], $0x50  }
.Ltmp0:
0x31: {  	[sflag:s10] =	ssyncset.done $0x0;
	(pc) =	sbr.rel @p0 .LBB2_2-.Ltmp0, $4  }
0x32: {  	[sflag:s10] =	ssyncadd.s32 $0xFFFFFFB0  }
0x33: {  	[spmem:s2] =	stream.indirect.scatter.add.f32 [tilespmem:s3], [sflag:$0x1], $0x1, s11, s12, $0xb8;
	[tilespmem:$0x2A0] =	vst v63  }
0x34: {  	_ =	swait.ge [sflag:s10], $0x50  }
0x35: {  	s17 =	smov.u32 s20;
	[sflag:s10] =	ssyncset.done $0x0  }
0x36: {  	s17 =	sadd.s32 s16, s8;
	[sflag:s10] =	ssyncadd.s32 $0xFFFFFFB0  }
0x37: {  	[tilespmem:s3], [sflag:$0x1] =	stream.linear.gather [hbm4b:s17+s3], $0x50, $0x38;
	[tilespmem:$0x2A0] =	vst v63  }
0x38: {  	_ =	swait.ge [sflag:s10], $0x50  }
0x39: {  	[sflag:s10] =	ssyncset.done $0x0  }
0x3a: {  	s31 =	sadd.s32 s16, s7;
	[sflag:s10] =	ssyncadd.s32 $0xFFFFFFB0  }
0x3b: {  	[tilespmem:s11], [sflag:$0x1] =	stream.linear.gather [hbm4b:s31+s3], $0x50, $0x38;
	[tilespmem:$0x2A0] =	vst v63  }
0x3c: {  	_ =	swait.ge [sflag:s10], $0x50  }
0x3d: {  	[sflag:s10] =	ssyncset.done $0x0  }
0x3e: {  	[sflag:s10] =	ssyncadd.s32 $0xFFFFFFB0  }
0x3f: {  	[spmem:s2] =	stream.indirect.scatter.add.f32 [tilespmem:s3], [sflag:$0x1], $0x1, s11, s12, $0xb8;
	[tilespmem:$0x2A0] =	vst v63  }
0x40: {  	_ =	swait.ge [sflag:s10], $0x50  }
0x41: {  	s15 =	sadd.s32 $0x1, s15;
	[sflag:s10] =	ssyncset.done $0x0  }
0x42: {  	p0 =	sne.s32 s15, s6;
	[sflag:s10] =	ssyncadd.s32 $0xFFFFFFB0  }
.Ltmp1:
0x43: {  	[bflag:$0x0] =	sbarrier.arrive $0xFFFF;
	(pc) =	sbr.rel @p0 .LBB2_1-.Ltmp1, $4  }
0x44: {  	[hbm:s5], [sflag:s13] =	dma.local [spmem:s14], $0x10  }
0x45: {  	_ =	swait.ge [sflag:s10], $0x10  }
0x46: {  	[sflag:s10] =	ssyncset.done $0x0  }
0x47: {  	[sflag:s10] =	ssyncadd.s32 $0xFFFFFFF0  }
0x48: {  	_ =	sfence.sel $0x180000  }
0x49: {  	[bflag:$0x0] =	sbarrier.arrive $0xFFFF  }
0x4a: {  	p0 =	sne.s32 s0, $0x0;
	_ =	strace $0x9000004D  }
0x4b: {  	s0 =	sadd.s32 @!p0 $0x100000, s1;
	[bflag:$0x2] =	sbarrier.arrive $0xFFFF  }
0x4c: {  	[sflag:s0] =	ssyncadd.tile.s32 @!p0 $0x1;
	_ =	shalt  }
.Lfunc_end2:
_tile_overlayer_lowered:
.L_overlay_start_2:
0x4d: {  	(tag) =	ssettag $0x2  }
0x4e: {  	s0 =	rddreg [dreg:$0x0];
	s2 =	stileid.u32  }
0x4f: {  	s1 =	rddreg [dreg:$0x1];
	p0 =	sne.s32 s2, $0x0  }
0x50: {  	s3 =	rddreg [dreg:$0x2];
	[bflag:$0x3] =	sbarrier.arrive $0xFFFF;
	s2 =	simm.s32 @!p0 $0x1C01  }
0x51: {  	[timem:s3], [sflag:s2] =	dma.local @!p0 [hbm:s0], s1  }
0x52: {  	s0 =	simm.s32 @!p0 $0x1  }
0x53: {  	_ =	swait.ge @!p0 [sflag:s0], s1  }
0x54: {  	s1 =	ssub.s32 @!p0 $0x0, s1;
	[sflag:s0] =	ssyncset.done @!p0 $0x0  }
0x55: {  	[sflag:s0] =	ssyncadd.s32 @!p0 s1  }
0x56: {  	[bflag:$0x3] =	sbarrier.arrive $0xFFFF  }
0x57: {  	_ =	shalt  }

// kernel: kernel.8.cloned.1.call-start
scs
__scs_entry_jumppad:
0x0: {  	(pc) =	sbr.rel $0x88, $3  }
0x1: {  	(tag) =	ssettag $0x0;
	lr =	simm.s32 $0x1  }
0x2: {  	[smem:$0x3F93] =	sst lr;
	_ =	strace $0xD0000000  }
0x3: {  	_ = 	snop  }
0x4: {  	_ = 	snop  }
0x5: {  	_ = 	snop  }
0x6: {  	_ = 	snop  }
0x7: {  	_ = 	snop  }
__scs_overlays_trampoline_lowered:
0x8: {  	[smem:$0x3FA2] =	sst s0  }
0x9: {  	[smem:$0x3FA3] =	sst s1  }
0xa: {  	[smem:$0x3FA4] =	sst s2  }
0xb: {  	[smem:$0x3FA5] =	sst s3  }
0xc: {  	[smem:$0x3FA6] =	sst s4  }
0xd: {  	[smem:$0x3FA7] =	sst s5  }
0xe: {  	[smem:$0x3FA8] =	sst s6  }
0xf: {  	[smem:$0x3FA9] =	sst s7  }
0x10: {  	[smem:$0x3FAA] =	sst s8  }
0x11: {  	[smem:$0x3FAB] =	sst s9;
	s0 =	simm.s32 @!p0 $0x0  }
0x12: {  	s1 =	sld [smem:$0x3F91];
	s0 =	simm.s32 @p0 $0x1  }
0x13: {  	[smem:$0x3FAC] =	sst s0;
	s0 =	simm.s32 @!p1 $0x0  }
0x14: {  	s2 =	sld [smem:$0x3F90];
	s0 =	simm.s32 @p1 $0x1  }
0x15: {  	[smem:$0x3FAD] =	sst s0;
	s0 =	simm.s32 @!p2 $0x0  }
0x16: {  	s3 =	sld [smem:$0x3FDB];
	s0 =	simm.s32 @p2 $0x1  }
0x17: {  	s4 =	simm.s32 $0x1BF5;
	[smem:$0x3FAF] =	sst s0  }
0x18: {  	s0 =	sld [smem:$0x3F92];
	_ =	swait.ge [sflag:s4], $0x0  }
0x19: {  	s7 =	sld [smem:$0x3F93]  }
0x1a: {  	s8 =	sadd.s32 $0xFFFFE003, lr  }
0x1b: {  	s9 =	sadd.s32 $0xFFFFFEF7, lr;
	s5 =	simm.s32 $0xFFFFFFFF;
	p2 =	slt.u32 s8, $0xFFFFF086  }
0x1c: {  	p1 =	slt.u32 s9, $0xF7A;
	s5 =	simm.s32 @!p2 $0x0  }
0x1d: {  	s5 =	simm.s32 @p1 $0x1;
	p0 =	seq.s32 s7, s2  }
0x1e: {  	s7 =	smul.u32 @!p0 $0xF7A, s2;
	p2 =	seq.s32 @!p0 s5, $0x0  }
0x1f: {  	s9 =	smul.u32 $0xF7A, s1;
	s8 =	simm.s32 @!p0 $0x1BF5;
	p2 =	por !p2, p0  }
0x20: {  	[sflag:s8] =	ssyncset.s32 @!p0 $0xFFFFF086;
	s6 =	sadd.s32 @!p0 s3, s7;
	s7 =	simm.s32 @!p0 $0x108  }
0x21: {  	s3 =	sadd.s32 s3, s9;
	s6 =	sadd.s32 @!p0 $0x88, s6;
	s7 =	simm.s32 @p2 $0x1082  }
0x22: {  	[simem:s7], [sflag:s8] =	dma.local @!p0 [hbm:s6], $0xF7A  }
0x23: {  	s9 =	sor.u32 $0xD0000000, s2;
	s6 =	simm.s32 $0x108;
	_ =	swait.ge @!p0 [sflag:s8], $0x0  }
0x24: {  	s3 =	sadd.s32 $0x88, s3;
	s6 =	simm.s32 @!p1 $0x1082;
	[sflag:s4] =	ssyncset.s32 $0xFFFFF086  }
0x25: {  	[simem:s6], [sflag:s4] =	dma.local [hbm:s3], $0xF7A  }
0x26: {  	[smem:$0x3F93] =	sst s1;
	(tag) =	ssettag s2;
	_ =	strace s9  }
0x27: {  	s1 =	sld [smem:$0x3FA3]  }
0x28: {  	s2 =	sld [smem:$0x3FA4]  }
0x29: {  	s4 =	sld [smem:$0x3FA6]  }
0x2a: {  	p0 =	seq.s32 s5, $0x0;
	s5 =	sld [smem:$0x3FA7]  }
0x2b: {  	s6 =	sld [smem:$0x3FA8]  }
0x2c: {  	s7 =	sld [smem:$0x3FA9]  }
0x2d: {  	s3 =	simm.s32 $0x108;
	s8 =	sld [smem:$0x3FAA]  }
0x2e: {  	s3 =	simm.s32 @!p0 $0x1082;
	s9 =	sld [smem:$0x3FAB]  }
0x2f: {  	lr =	sadd.s32 s0, s3;
	s0 =	sld [smem:$0x3FA2]  }
0x30: {  	s3 =	sld [smem:$0x3FA5]  }
0x31: {  	[smem:$0x3FAE] =	sst s10  }
0x32: {  	s10 =	sld [smem:$0x3FAC];
	_ =	sdelay $0x3  }
0x33: {  	p0 =	seq.s32 s10, $0x1;
	s10 =	sld [smem:$0x3FAE];
	_ =	sdelay $0x3  }
0x34: {  	[smem:$0x3FAE] =	sst s10  }
0x35: {  	s10 =	sld [smem:$0x3FAD];
	_ =	sdelay $0x3  }
0x36: {  	p1 =	seq.s32 s10, $0x1;
	s10 =	sld [smem:$0x3FAE];
	_ =	sdelay $0x3  }
0x37: {  	[smem:$0x3FAE] =	sst s10  }
0x38: {  	s10 =	sld [smem:$0x3FAF]  }
0x39: {  	_ = 	snop;
	(pc) =	sbr.ind lr, $3  }
0x3a: {  	_ = 	snop  }
0x3b: {  	_ = 	snop  }
0x3c: {  	p2 =	seq.s32 s10, $0x1;
	s10 =	sld [smem:$0x3FAE]  }
0x3d: {  	_ =	shalt  }
0x3e: {  	_ =	shalt  }
0x3f: {  	_ =	shalt  }
0x40: {  	_ =	shalt  }
0x41: {  	_ =	shalt  }
0x42: {  	_ =	shalt  }
0x43: {  	_ =	shalt  }
0x44: {  	_ =	shalt  }
0x45: {  	_ =	shalt  }
0x46: {  	_ =	shalt  }
0x47: {  	_ =	shalt  }
0x48: {  	_ =	shalt  }
0x49: {  	_ =	shalt  }
0x4a: {  	_ =	shalt  }
0x4b: {  	_ =	shalt  }
0x4c: {  	_ =	shalt  }
0x4d: {  	_ =	shalt  }
0x4e: {  	_ =	shalt  }
0x4f: {  	_ =	shalt  }
0x50: {  	_ =	shalt  }
0x51: {  	_ =	shalt  }
0x52: {  	_ =	shalt  }
0x53: {  	_ =	shalt  }
0x54: {  	_ =	shalt  }
0x55: {  	_ =	shalt  }
0x56: {  	_ =	shalt  }
0x57: {  	_ =	shalt  }
0x58: {  	_ =	shalt  }
0x59: {  	_ =	shalt  }
0x5a: {  	_ =	shalt  }
0x5b: {  	_ =	shalt  }
0x5c: {  	_ =	shalt  }
0x5d: {  	_ =	shalt  }
0x5e: {  	_ =	shalt  }
0x5f: {  	_ =	shalt  }
0x60: {  	_ =	shalt  }
0x61: {  	_ =	shalt  }
0x62: {  	_ =	shalt  }
0x63: {  	_ =	shalt  }
0x64: {  	_ =	shalt  }
0x65: {  	_ =	shalt  }
0x66: {  	_ =	shalt  }
0x67: {  	_ =	shalt  }
0x68: {  	_ =	shalt  }
0x69: {  	_ =	shalt  }
0x6a: {  	_ =	shalt  }
0x6b: {  	_ =	shalt  }
0x6c: {  	_ =	shalt  }
0x6d: {  	_ =	shalt  }
0x6e: {  	_ =	shalt  }
0x6f: {  	_ =	shalt  }
0x70: {  	_ =	shalt  }
0x71: {  	_ =	shalt  }
0x72: {  	_ =	shalt  }
0x73: {  	_ =	shalt  }
0x74: {  	_ =	shalt  }
0x75: {  	_ =	shalt  }
0x76: {  	_ =	shalt  }
0x77: {  	_ =	shalt  }
0x78: {  	_ =	shalt  }
0x79: {  	_ =	shalt  }
0x7a: {  	_ =	shalt  }
0x7b: {  	_ =	shalt  }
0x7c: {  	_ =	shalt  }
0x7d: {  	_ =	shalt  }
0x7e: {  	_ =	shalt  }
0x7f: {  	_ =	shalt  }
0x80: {  	_ =	shalt  }
0x81: {  	_ =	shalt  }
0x82: {  	_ =	shalt  }
0x83: {  	_ =	shalt  }
0x84: {  	_ =	shalt  }
0x85: {  	_ =	shalt  }
0x86: {  	_ =	shalt  }
0x87: {  	_ =	shalt  }
.Lfunc_end0:
.L_simem_size_0:
called_computation_lowered:
.L_overlay_start_0:
0x88: {  	s2 =	sld [smem:$0x3FD9]  }
0x89: {  	s3 =	sld [smem:$0x3FFE];
	_ =	sdelay $0x1  }
0x8a: {  	s1 =	srdreg.scid  }
0x8b: {  	s0 =	sand.u32 $0x1, s1  }
0x8c: {  	s16 =	sshll.u32 s0, $0xA;
	s2 =	sadd.s32 s3, s2  }
0x8d: {  	s2 =	sadd.s32 s2, s16  }
0x8e: {  	[smem:$0x3FBA] =	sst s2  }
0x8f: {  	_ = 	snop  }
0x90: {  	(tm) =	ssettm $0x1  }
0x91: {  	s17 =	sld [smem:$0x3FFB];
	_ =	sdelay $0x3  }
0x92: {  	_ =	strace s17  }
0x93: {  	s2 =	sld [smem:$0x3FFC];
	_ =	sdelay $0x3  }
0x94: {  	_ =	strace s2  }
0x95: {  	s2 =	sld [smem:$0x3FFD];
	_ =	sdelay $0x3  }
0x96: {  	_ =	strace s2  }
0x97: {  	_ =	strace $0x8FFFFFFF  }
0x98: {  	s18 =	sld [smem:$0x3FDB];
	_ =	sdelay $0x1  }
0x99: {  	s19 =	simm.s32 $_scs_section_size  }
0x9a: {  	s4 =	simm.s32 $_size__tile_overlayer_lowered;
	s5 =	simm.s32 $_tile_overlayer_lowered  }
0x9b: {  	s22 =	simm.s32 $0x1BFF;
	s21 =	sshll.u32 s5, $0x1;
	s2 =	sadd.s32 s19, s18  }
0x9c: {  	s6 =	simm.s32 $0x0;
	s20 =	sshll.u32 s4, $0x1;
	s4 =	sadd.s32 s21, s2  }
0x9d: {  	[timem:s6], [sflag:s22] =	dma.local [hbm:s4], s20  }
0x9e: {  	_ =	swait.ge [sflag:s22], s20  }
0x9f: {  	s3 =	ssub.s32 $0x0, s20;
	[sflag:s22] =	ssyncset.done $0x0  }
0xa0: {  	[sflag:s22] =	ssyncadd.s32 s3;
	_ =	sdelay $0x1  }
0xa1: {  	s23 =	simm.s32 $0x1B8B  }
0xa2: {  	_ =	swait.ge [sflag:s23], $0x1  }
0xa3: {  	[sflag:s23] =	ssyncset.done $0x0  }
0xa4: {  	s25 =	simm.s32 $0x1B8E;
	s24 =	sld [smem:$0x3FFE];
	[sflag:s23] =	ssyncadd.s32 $0xFFFFFFFF  }
0xa5: {  	s26 =	simm.s32 $execute0_lowered;
	[smem:$0x3FD2] =	sst s25  }
0xa6: {  	s4 =	sshll.u32 s26, $0x1;
	_ =	strace $0x80000046;
	[dreg:$0x1] =	wrdreg $0xFFFFFFFF  }
0xa7: {  	s28 =	simm.s32 $_size_execute0_lowered;
	s2 =	sadd.s32 s2, s4;
	[dreg:$0x0] =	wrdreg $0x0  }
0xa8: {  	s4 =	sshll.u32 s28, $0x1;
	[dreg:$0x2] =	wrdreg s2  }
0xa9: {  	[dreg:$0x3] =	wrdreg s4  }
0xaa: {  	[dreg:$0x4] =	wrdreg $0xC0  }
0xab: {  	_ =	task [dreg:s6], $0x5FFFF  }
0xac: {  	[dreg:$0x1] =	wrdreg $0xFFFFFFFF  }
0xad: {  	[dreg:$0x0] =	wrdreg $0x60  }
0xae: {  	[dreg:$0x2] =	wrdreg s24  }
0xaf: {  	[dreg:$0x3] =	wrdreg $0xD800  }
0xb0: {  	[dreg:$0x4] =	wrdreg $0x9  }
0xb1: {  	_ =	task.clear_ibuf [dreg:s6], $0x5FFFF;
	_ =	strace $0x90000046  }
0xb2: {  	s29 =	simm.s32 $0x9;
	_ =	strace $0x80000048  }
0xb3: {  	_ =	swait.ge [sflag:s29], $0x1  }
0xb4: {  	[sflag:s29] =	ssyncadd.s32 $0xFFFFFFFF  }
0xb5: {  	_ =	strace $0x90000048  }
0xb6: {  	_ =	sfence  }
0xb7: {  	s30 =	sld [smem:$0x0];
	_ =	sdelay $0x2  }
0xb8: {  	s31 =	sshll.u32 s1, $0xD;
	s1 =	sshrl.u32 s1, $0x2  }
0xb9: {  	s3 =	sand.u32 $0x4000, s31;
	s1 =	sadd.s32 s1, s30  }
0xba: {  	s0 =	sor.u32 s3, s0;
	s1 =	sshll.u32 s1, $0x11  }
0xbb: {  	s0 =	sor.u32 s1, s0  }
0xbc: {  	s0 =	sadd.s32 $0x8F2B, s0  }
0xbd: {  	[sflag:s0] =	ssyncadd.remote.s32 $0x1  }
0xbe: {  	_ =	sfence.sel $0xFFFF  }
0xbf: {  	[dreg:$0x0] =	wrdreg $0xFFFFFFFF;
	(pc) =	sbr.abs _section_cstart, $3  }
0xc0: {  	[dreg:$0x1] =	wrdreg $0xFFFFFFFF  }
0xc1: {  	_ =	task.clear_ibuf [dreg:s6], $0x2FFFF;
	_ =	strace $0x9FFFFFFF  }
0xc2: {  	(tm) =	ssettm $0x7FFFFFFF  }
0xc3: {  	_ =	shalt  }
tec
execute0_lowered:
.L_overlay_start_1:
0x0: {  	(tag) =	ssettag $0x1  }
0x1: {  	s4 =	rddreg [dreg:$0x0]  }
0x2: {  	s1 =	rddreg [dreg:$0x1];
	s2 =	srdreg.scid  }
0x3: {  	s0 =	rddreg [dreg:$0x2];
	s3 =	simm.s32 $0x0;
	s13 =	simm.s32 $0x20  }
0x4: {  	s14 =	simm.s32 $0x10;
	s5 =	sand.u32 $0x1, s2;
	s2 =	stileid.u32  }
0x5: {  	s15 =	simm.s32 $0x0;
	[smem:$0x7FF] =	sst s3;
	s6 =	smul.u32 $0xC800, s5  }
0x6: {  	s7 =	smul.u32 $0x1900, s2;
	_ =	strace $0x80000047;
	s8 =	sshll.u32 s5, $0x7  }
0x7: {  	s29 =	smul.u32 $0x3200, s2;
	s5 =	ssub.s32 $0x2, s5;
	s11 =	sshll.u32 s2, $0x6  }
0x8: {  	s9 =	smul.u32 $0xC80, s2;
	s30 =	sshrl.u32 s5, $0x1;
	s11 =	sor.u32 $0x1C01, s11  }
0x9: {  	s6 =	sadd.s32 s6, s4;
	s7 =	sor.u32 s8, s7;
	s8 =	sshrl.u32 s29, $0x2  }
0xa: {  	s10 =	ssub.s32 s5, s30;
	s7 =	sshrl.u32 s7, $0x3;
	s31 =	sadd.s32 s9, s6  }
0xb: {  	s6 =	smax.u32 s10, $0x1;
	s9 =	simm.s32 $0x1;
	s10 =	simm.s32 $0x80  }
0xc: {  	s7 =	sadd.s32 s7, s4;
	s4 =	sadd.s32 s8, s1;
	s8 =	simm.s32 $0x100  }
0xd: {  	v0 =	vimm.f32 $0.0e+00;
	v1 =	vimm.f32 $1.000000000e+00;
	s5 =	sadd.s32 $0x33600, s7;
	s7 =	sadd.s32 $0x1600, s31;
	s12 =	sshrl.u32 s4, $0x3  }
.LBB2_1:
0xe: {  	s16 =	simm.s32 $0x40;
	s17 =	simm.s32 $0x0  }
.LBB2_2:
0xf: {  	p0 =	sne.s32 s16, $0x31C0;
	[tilespmem:s17+$0x100] =	vst v0;
	s17 =	smov.u32 s16;
	s16 =	sadd.s32 $0x40, s16  }
.Ltmp0:
0x10: {  	(pc) =	sbr.rel @p0 .LBB2_2-.Ltmp0, $2  }
0x11: {  	_ =	sdelay $0x2  }
0x12: {  	s17 =	sshra.s32 s17, $0x2  }
0x13: {  	[tilespmem:s17+$0x100] =	vst v0  }
0x14: {  	[spmem:s4] =	stream.linear.scatter [tilespmem:s8], [sflag:$0x1], $0xC80, $0x38;
	[tilespmem:$0x1A00] =	vst v63  }
0x15: {  	_ =	swait.ge [sflag:s9], $0xC80  }
0x16: {  	[sflag:s9] =	ssyncset.done $0x0  }
0x17: {  	[sflag:s9] =	ssyncadd.s32 $0xFFFFF380  }
0x18: {  	[tilespmem:$0x80] =	vst v1  }
0x19: {  	[tilespmem:$0x90] =	vst v1  }
0x1a: {  	[tilespmem:$0xA0] =	vst v1  }
0x1b: {  	[tilespmem:$0xB0] =	vst v1  }
0x1c: {  	[tilespmem:$0xC0] =	vst v1  }
0x1d: {  	[tilespmem:$0xD0] =	vst v1  }
0x1e: {  	[tilespmem:$0xE0] =	vst v1  }
0x1f: {  	[tilespmem:$0xF0] =	vst v1  }
0x20: {  	s16 =	sadd.s32 $0x0, s7;
	[bflag:$0x0] =	sbarrier.arrive $0xFFFF  }
0x21: {  	[tilespmem:s3], [sflag:$0x1] =	stream.linear.gather [hbm4b:s16+s3], $0x80, $0x38;
	[tilespmem:$0x1A00] =	vst v63  }
0x22: {  	_ =	swait.ge [sflag:s9], $0x80  }
0x23: {  	[sflag:s9] =	ssyncset.done $0x0  }
0x24: {  	[sflag:s9] =	ssyncadd.s32 $0xFFFFFF80  }
0x25: {  	[spmem:s1] =	stream.indirect.scatter.add.f32 [tilespmem:s10], [sflag:$0x1], $0x1, s3, s10, $0xb8;
	[tilespmem:$0x1A00] =	vst v63  }
0x26: {  	_ =	swait.ge [sflag:s9], $0x80  }
0x27: {  	s17 =	simm.s32 $0x20;
	s16 =	simm.s32 $0x10;
	[sflag:s9] =	ssyncset.done $0x0  }
.LBB2_4:
0x28: {  	s18 =	sadd.s32 s16, s7  }
0x29: {  	[sflag:s9] =	ssyncadd.s32 $0xFFFFFF80;
	s16 =	smov.u32 s17;
	s19 =	sadd.s32 $0x10, s17  }
0x2a: {  	[tilespmem:s3], [sflag:$0x1] =	stream.linear.gather [hbm4b:s18+s3], $0x80, $0x38;
	[tilespmem:$0x1A00] =	vst v63  }
0x2b: {  	p0 =	sne.s32 s17, $0xC70;
	_ =	swait.ge [sflag:s9], $0x80  }
.Ltmp1:
0x2c: {  	[sflag:s9] =	ssyncset.done $0x0;
	(pc) =	sbr.rel @p0 .LBB2_4-.Ltmp1, $4  }
0x2d: {  	[sflag:s9] =	ssyncadd.s32 $0xFFFFFF80  }
0x2e: {  	[spmem:s1] =	stream.indirect.scatter.add.f32 [tilespmem:s10], [sflag:$0x1], $0x1, s3, s10, $0xb8;
	[tilespmem:$0x1A00] =	vst v63  }
0x2f: {  	_ =	swait.ge [sflag:s9], $0x80  }
0x30: {  	s17 =	smov.u32 s19;
	[sflag:s9] =	ssyncset.done $0x0  }
0x31: {  	s16 =	sadd.s32 s16, s7;
	[sflag:s9] =	ssyncadd.s32 $0xFFFFFF80  }
0x32: {  	[tilespmem:s3], [sflag:$0x1] =	stream.linear.gather [hbm4b:s16+s3], $0x80, $0x38;
	[tilespmem:$0x1A00] =	vst v63  }
0x33: {  	_ =	swait.ge [sflag:s9], $0x80  }
0x34: {  	[sflag:s9] =	ssyncset.done $0x0  }
0x35: {  	[sflag:s9] =	ssyncadd.s32 $0xFFFFFF80  }
0x36: {  	[spmem:s1] =	stream.indirect.scatter.add.f32 [tilespmem:s10], [sflag:$0x1], $0x1, s3, s10, $0xb8;
	[tilespmem:$0x1A00] =	vst v63  }
0x37: {  	_ =	swait.ge [sflag:s9], $0x80  }
0x38: {  	s15 =	sadd.s32 $0x1, s15;
	[sflag:s9] =	ssyncset.done $0x0  }
0x39: {  	p0 =	sne.s32 s15, s6;
	[sflag:s9] =	ssyncadd.s32 $0xFFFFFF80  }
.Ltmp2:
0x3a: {  	[bflag:$0x0] =	sbarrier.arrive $0xFFFF;
	(pc) =	sbr.rel @p0 .LBB2_1-.Ltmp2, $4  }
0x3b: {  	[hbm:s5@s13], [sflag:s11] =	dma.strided [spmem:s12@s14], $0x190, s9, $0x10   }
0x3c: {  	_ =	swait.ge [sflag:s9], $0x190  }
0x3d: {  	[sflag:s9] =	ssyncset.done $0x0  }
0x3e: {  	[sflag:s9] =	ssyncadd.s32 $0xFFFFFE70  }
0x3f: {  	_ =	sfence.sel $0x180000  }
0x40: {  	[bflag:$0x0] =	sbarrier.arrive $0xFFFF  }
0x41: {  	p0 =	sne.s32 s2, $0x0;
	_ =	strace $0x90000047  }
0x42: {  	s0 =	sadd.s32 @!p0 $0x100000, s0;
	[bflag:$0x2] =	sbarrier.arrive $0xFFFF  }
0x43: {  	[sflag:s0] =	ssyncadd.tile.s32 @!p0 $0x1;
	_ =	shalt  }
.Lfunc_end2:
_tile_overlayer_lowered:
.L_overlay_start_2:
0x44: {  	(tag) =	ssettag $0x2  }
0x45: {  	s0 =	rddreg [dreg:$0x0];
	s2 =	stileid.u32  }
0x46: {  	s1 =	rddreg [dreg:$0x1];
	p0 =	sne.s32 s2, $0x0  }
0x47: {  	s3 =	rddreg [dreg:$0x2];
	[bflag:$0x3] =	sbarrier.arrive $0xFFFF;
	s2 =	simm.s32 @!p0 $0x1C01  }
0x48: {  	[timem:s3], [sflag:s2] =	dma.local @!p0 [hbm:s0], s1  }
0x49: {  	s0 =	simm.s32 @!p0 $0x1  }
0x4a: {  	_ =	swait.ge @!p0 [sflag:s0], s1  }
0x4b: {  	s1 =	ssub.s32 @!p0 $0x0, s1;
	[sflag:s0] =	ssyncset.done @!p0 $0x0  }
0x4c: {  	[sflag:s0] =	ssyncadd.s32 @!p0 s1  }
0x4d: {  	[bflag:$0x3] =	sbarrier.arrive $0xFFFF  }
0x4e: {  	_ =	shalt  }

</sc_bundles>
